<compile_context>
chip_gen: v7x
topology: tpu7x:2x2x1
jax: 0.10.2.dev20260603
libtpu: 0.0.44.dev20260713+nightly
codegen_flags: <defaults>
</compile_context>

<pallas_src>
import functools

import jax
import jax.numpy as jnp
from jax import lax
from jax.experimental import pallas as pl
from jax.experimental.pallas import tpu as pltpu
from jax.experimental.pallas import tpu_sc as plsc

VOCAB = 100000
EMB = 128
CTX = 200
HIDDEN = 200

ROWS = 16
NCH = (HIDDEN + ROWS - 1) // ROWS

B_PER_W = 8
NW_USED = CTX // B_PER_W


def _sc_gather(emb_table, idx):
    info = plsc.get_sparse_core_info()
    ncores = info.num_cores

    mesh = plsc.VectorSubcoreMesh(core_axis_name="c", subcore_axis_name="s")

    @functools.partial(
        pl.kernel,
        out_type=jax.ShapeDtypeStruct((CTX, EMB), jnp.float32),
        mesh=mesh,
        scratch_types=[
            pltpu.VMEM((B_PER_W,), jnp.int32),
            pltpu.VMEM((B_PER_W, EMB), jnp.float32),
            pltpu.SemaphoreType.DMA,
        ],
    )
    def gather_kernel(table_hbm, idx_hbm, out_hbm, idx_v, rows_v, sem):
        wid = lax.axis_index("s") * ncores + lax.axis_index("c")

        @pl.when(wid < NW_USED)
        def _():
            base = wid * B_PER_W
            pltpu.sync_copy(idx_hbm.at[pl.ds(base, B_PER_W)], idx_v)
            pltpu.async_copy(table_hbm.at[idx_v], rows_v, sem).wait()
            pltpu.sync_copy(rows_v, out_hbm.at[pl.ds(base, B_PER_W)])

    return gather_kernel(emb_table, idx)


NBUF = 4


def _chunk_copy(outwt_ref, bufs_ref, sems, jj):
    r = min(ROWS, HIDDEN - jj * ROWS)
    return pltpu.make_async_copy(
        outwt_ref.at[pl.ds(jj * ROWS, r), :],
        bufs_ref.at[jj % NBUF, pl.ds(0, r), :],
        sems.at[jj % NBUF])


def _mlp_body(emb_ref, fcw_ref, fcb_ref, outwt_ref, outb_ref, out_ref,
              logits_ref, xt_ref, bufs_ref, sems):
    i = pl.program_id(0)

    @pl.when(i == 0)
    def _fc():
        for k in range(min(NBUF, NCH)):
            _chunk_copy(outwt_ref, bufs_ref, sems, k).start()
        x = lax.dot_general(
            emb_ref[...], fcw_ref[...],
            dimension_numbers=(((1,), (1,)), ((), ())),
            preferred_element_type=jnp.float32)
        xt_ref[...] = jnp.maximum(x + fcb_ref[...], 0.0)

    for jj in range(NCH):
        @pl.when(i == 1 + jj)
        def _proj(jj=jj):
            r = min(ROWS, HIDDEN - jj * ROWS)
            _chunk_copy(outwt_ref, bufs_ref, sems, jj).wait()
            part = lax.dot_general(
                xt_ref[:, jj * ROWS:jj * ROWS + r],
                bufs_ref[jj % NBUF, 0:r, :],
                dimension_numbers=(((1,), (0,)), ((), ())),
                preferred_element_type=jnp.float32)
            if jj == 0:
                logits_ref[...] = part + outb_ref[...].reshape(1, VOCAB)
            else:
                logits_ref[...] = logits_ref[...] + part
            if jj + NBUF < NCH:
                _chunk_copy(outwt_ref, bufs_ref, sems, jj + NBUF).start()

    @pl.when(i == 1 + NCH)
    def _finish():
        lg = logits_ref[...]
        m = jnp.max(lg)
        s = jnp.sum(jnp.exp(lg - m))
        out_ref[...] = lg - (m + jnp.log(s))


def _mlp(embeds, fc_w, fc_b, out_wt, out_b):
    grid = (NCH + 2,)
    return pl.pallas_call(
        _mlp_body,
        grid=grid,
        in_specs=[
            pl.BlockSpec(memory_space=pltpu.MemorySpace.VMEM),
            pl.BlockSpec(memory_space=pltpu.MemorySpace.VMEM),
            pl.BlockSpec(memory_space=pltpu.MemorySpace.VMEM),
            pl.BlockSpec(memory_space=pltpu.MemorySpace.HBM),
            pl.BlockSpec(memory_space=pltpu.MemorySpace.VMEM),
        ],
        out_specs=pl.BlockSpec((1, VOCAB), lambda i: (0, 0)),
        out_shape=jax.ShapeDtypeStruct((1, VOCAB), jnp.float32),
        scratch_shapes=[
            pltpu.VMEM((1, VOCAB), jnp.float32),
            pltpu.VMEM((1, HIDDEN), jnp.float32),
            pltpu.VMEM((NBUF, ROWS, VOCAB), jnp.float32),
            pltpu.SemaphoreType.DMA((NBUF,)),
        ],
    )(embeds, fc_w, fc_b, out_wt, out_b)


def kernel(input, emb_table, fc_w, fc_b, out_w, out_b):
    rows = _sc_gather(emb_table, input.astype(jnp.int32))
    embeds = rows.reshape(1, CTX * EMB)
    return _mlp(
        embeds,
        fc_w,
        fc_b.reshape(1, HIDDEN),
        out_w.T,
        out_b,
    )

# --- scband reference (transcript-rebuilt; emitter-appended) ---
"""Pipeline reference for scband-ngram-model-21766894256665 (READ-ONLY COPY).

The authoritative reference and input builder live on the scoring server;
editing this copy changes nothing except your own understanding.
"""

import jax, jax.numpy as jnp
import numpy as np

VOCAB = 100000
EMB = 128
CTX = 200
HIDDEN = 200

def setup_inputs(seed: int = 0) -> dict:
    key = jax.random.key(seed)
    k1, k2, k3, k4, k5, k6 = jax.random.split(key, 6)
    input_idx = jax.random.randint(k1, (CTX,), 0, VOCAB, dtype=jnp.int64 if jax.config.jax_enable_x64 else jnp.int32).astype(jnp.int32)
    emb_table = jax.random.normal(k2, (VOCAB, EMB), dtype=jnp.float32) * 0.02
    fc_w = jax.random.normal(k3, (HIDDEN, EMB * CTX), dtype=jnp.float32) * 0.02
    fc_b = jax.random.normal(k4, (HIDDEN,), dtype=jnp.float32) * 0.02
    out_w = jax.random.normal(k5, (VOCAB, HIDDEN), dtype=jnp.float32) * 0.02
    out_b = jax.random.normal(k6, (VOCAB,), dtype=jnp.float32) * 0.02
    return {"input": input_idx, "emb_table": emb_table, "fc_w": fc_w, "fc_b": fc_b, "out_w": out_w, "out_b": out_b}

def reference(input, emb_table, fc_w, fc_b, out_w, out_b):
    # nn.Embedding lookup -> gather
    embeds = jnp.take(emb_table, input, axis=0).reshape((1, -1))  # [1, CTX*EMB]
    # fc + relu
    x = jax.nn.relu(embeds @ fc_w.T + fc_b)  # [1, HIDDEN]
    # output + log_softmax
    logits = x @ out_w.T + out_b  # [1, VOCAB]
    out = jax.nn.log_softmax(logits, axis=1)
    return out

if __name__ == "__main__":
    import jax
    _d = setup_inputs()
    print(jax.jit(kernel)(*tuple(_d.values())))

</pallas_src>

<mosaic_0001>
#map = affine_map<(d0, d1) -> (0, 0)>
#map1 = affine_map<(d0, d1) -> (0)>
module attributes {stable_mosaic.version = 14 : i64} {
  func.func @gather_kernel(%arg0: i32, %arg1: i32, %arg2: memref<100000x128xf32, #tpu.memory_space<hbm>>, %arg3: memref<200xi32, #tpu.memory_space<hbm>>, %arg4: memref<200x128xf32, #tpu.memory_space<hbm>>, %arg5: memref<8xi32, #tpu.memory_space<vmem>>, %arg6: memref<8x128xf32, #tpu.memory_space<vmem>>, %arg7: memref<!tpu.dma_semaphore, #tpu.memory_space<semaphore_mem>>) attributes {dimension_semantics = [#tpu.dimension_semantics<core_parallel>, #tpu.dimension_semantics<subcore_parallel>], iteration_bounds = array<i64: 2, 16>, scalar_prefetch = 0 : i64, scratch_operands = 3 : i64, tpu.core_type = #tpu.core_type<sc_vector_subcore>, window_params = [{transform_indices = #map}, {transform_indices = #map1}, {transform_indices = #map}]} {
    %mul3A = arith.constant 2 : i32
    %mul3A_0 = arith.muli %arg1, %mul3A : i32
    %add3A = arith.addi %mul3A_0, %arg0 : i32
    %lt3A = arith.constant 25 : i32
    %lt3A_1 = arith.cmpi slt, %add3A, %lt3A : i32
    %convert_element_type3A = arith.extui %lt3A_1 : i1 to i32
    %cond3A = arith.constant 0 : i32
    %cond3A_2 = arith.cmpi ne, %convert_element_type3A, %cond3A : i32
    scf.if %cond3A_2 {
      %mul3A_3 = arith.constant 8 : i32
      %mul3A_4 = arith.muli %add3A, %mul3A_3 : i32
      "tpu.region"() ({
        %run_scoped3A = tpu.sem_alloc : memref<!tpu.dma_semaphore, #tpu.memory_space<semaphore_mem>>
        %dma_start3A_9 = tpu.memref_slice %arg3[%mul3A_4] : memref<200xi32, #tpu.memory_space<hbm>> -> memref<8xi32, #tpu.memory_space<hbm>>
        %dma_start3A_10 = tpu.memref_slice %arg3[%mul3A_4] : memref<200xi32, #tpu.memory_space<hbm>> -> memref<8xi32, #tpu.memory_space<hbm>>
        tpu.enqueue_dma source(%dma_start3A_10 : memref<8xi32, #tpu.memory_space<hbm>>) target(%arg5 : memref<8xi32, #tpu.memory_space<vmem>>) target_semaphore(%run_scoped3A : memref<!tpu.dma_semaphore, #tpu.memory_space<semaphore_mem>>)
        %dma_wait3A_11 = tpu.memref_slice %arg3[%mul3A_4] : memref<200xi32, #tpu.memory_space<hbm>> -> memref<8xi32, #tpu.memory_space<hbm>>
        %dma_wait3A_12 = tpu.memref_slice %arg3[%mul3A_4] : memref<200xi32, #tpu.memory_space<hbm>> -> memref<8xi32, #tpu.memory_space<hbm>>
        tpu.wait_dma2 semaphore(%run_scoped3A : memref<!tpu.dma_semaphore, #tpu.memory_space<semaphore_mem>>) src(%dma_wait3A_12 : memref<8xi32, #tpu.memory_space<hbm>>) dst(%arg5 : memref<8xi32, #tpu.memory_space<vmem>>)
        tpu.yield
      }) : () -> ()
      %dma_start3A = arith.constant 0 : i32
      %dma_start3A_5 = arith.constant 0 : i32
      %dma_start3A_6 = tpu.memref_slice %arg2[%dma_start3A, %dma_start3A_5] : memref<100000x128xf32, #tpu.memory_space<hbm>> -> memref<100000x128xf32, #tpu.memory_space<hbm>>
      tpu.enqueue_indirect_dma source(%dma_start3A_6 : memref<100000x128xf32, #tpu.memory_space<hbm>>) target(%arg6 : memref<8x128xf32, #tpu.memory_space<vmem>>) offsets(%arg5 : memref<8xi32, #tpu.memory_space<vmem>>) semaphore(%arg7 : memref<!tpu.dma_semaphore, #tpu.memory_space<semaphore_mem>>)
      %dma_wait3A = arith.constant 0 : i32
      %dma_wait3A_7 = arith.constant 0 : i32
      %dma_wait3A_8 = tpu.memref_slice %arg2[%dma_wait3A, %dma_wait3A_7] : memref<100000x128xf32, #tpu.memory_space<hbm>> -> memref<100000x128xf32, #tpu.memory_space<hbm>>
      tpu.wait_indirect_dma semaphore(%arg7 : memref<!tpu.dma_semaphore, #tpu.memory_space<semaphore_mem>>) src(%dma_wait3A_8 : memref<100000x128xf32, #tpu.memory_space<hbm>>) dst(%arg6 : memref<8x128xf32, #tpu.memory_space<vmem>>)
      "tpu.region"() ({
        %run_scoped3A = tpu.sem_alloc : memref<!tpu.dma_semaphore, #tpu.memory_space<semaphore_mem>>
        %dma_start3A_9 = arith.constant 0 : i32
        %dma_start3A_10 = tpu.memref_slice %arg4[%mul3A_4, %dma_start3A_9] : memref<200x128xf32, #tpu.memory_space<hbm>> -> memref<8x128xf32, #tpu.memory_space<hbm>>
        %dma_start3A_11 = arith.constant 0 : i32
        %dma_start3A_12 = tpu.memref_slice %arg4[%mul3A_4, %dma_start3A_11] : memref<200x128xf32, #tpu.memory_space<hbm>> -> memref<8x128xf32, #tpu.memory_space<hbm>>
        tpu.enqueue_dma source(%arg6 : memref<8x128xf32, #tpu.memory_space<vmem>>) target(%dma_start3A_12 : memref<8x128xf32, #tpu.memory_space<hbm>>) target_semaphore(%run_scoped3A : memref<!tpu.dma_semaphore, #tpu.memory_space<semaphore_mem>>)
        %dma_wait3A_13 = arith.constant 0 : i32
        %dma_wait3A_14 = tpu.memref_slice %arg4[%mul3A_4, %dma_wait3A_13] : memref<200x128xf32, #tpu.memory_space<hbm>> -> memref<8x128xf32, #tpu.memory_space<hbm>>
        %dma_wait3A_15 = arith.constant 0 : i32
        %dma_wait3A_16 = tpu.memref_slice %arg4[%mul3A_4, %dma_wait3A_15] : memref<200x128xf32, #tpu.memory_space<hbm>> -> memref<8x128xf32, #tpu.memory_space<hbm>>
        tpu.wait_dma2 semaphore(%run_scoped3A : memref<!tpu.dma_semaphore, #tpu.memory_space<semaphore_mem>>) src(%arg6 : memref<8x128xf32, #tpu.memory_space<vmem>>) dst(%dma_wait3A_16 : memref<8x128xf32, #tpu.memory_space<hbm>>)
        tpu.yield
      }) : () -> ()
    } else {
    }
    return
  }
}

module attributes {stable_mosaic.version = 14 : i64} {
  func.func @_mlp_body(%arg0: i32, %arg1: memref<1x25600xf32, #tpu.memory_space<vmem>>, %arg2: memref<200x25600xf32, #tpu.memory_space<vmem>>, %arg3: memref<1x200xf32, #tpu.memory_space<vmem>>, %arg4: memref<200x100000xf32, #tpu.memory_space<hbm>>, %arg5: memref<100000xf32, #tpu.memory_space<vmem>>, %arg6: memref<1x100000xf32, #tpu.memory_space<vmem>>, %arg7: memref<1x100000xf32, #tpu.memory_space<vmem>>, %arg8: memref<1x200xf32, #tpu.memory_space<vmem>>, %arg9: memref<4x16x100000xf32, #tpu.memory_space<vmem>>, %arg10: memref<4x!tpu.dma_semaphore, #tpu.memory_space<semaphore_mem>>) attributes {dimension_semantics = [#tpu.dimension_semantics<arbitrary>], iteration_bounds = array<i64: 15>, scalar_prefetch = 0 : i64, scratch_operands = 4 : i64, tpu.core_type = #tpu.core_type<tc>, window_params = [{pipeline_mode = #tpu.pipeline_mode<synchronous>, transform_indices = @transform_0, window_bounds = array<i64: 1, 25600>}, {pipeline_mode = #tpu.pipeline_mode<synchronous>, transform_indices = @transform_1, window_bounds = array<i64: 200, 25600>}, {pipeline_mode = #tpu.pipeline_mode<synchronous>, transform_indices = @transform_2, window_bounds = array<i64: 1, 200>}, {}, {pipeline_mode = #tpu.pipeline_mode<synchronous>, transform_indices = @transform_4, window_bounds = array<i64: 100000>}, {pipeline_mode = #tpu.pipeline_mode<synchronous>, transform_indices = @transform_5, window_bounds = array<i64: 1, 100000>}]} {
    %eq3A = arith.constant 0 : i32
    %eq3A_0 = arith.cmpi eq, %arg0, %eq3A : i32
    %convert_element_type3A = arith.extui %eq3A_0 : i1 to i32
    %cond3A = arith.constant 0 : i32
    %cond3A_1 = arith.cmpi ne, %convert_element_type3A, %cond3A : i32
    scf.if %cond3A_1 {
      %dma_start3A = arith.constant 0 : i32
      %dma_start3A_72 = arith.constant 0 : i32
      %dma_start3A_73 = tpu.memref_slice %arg10[%dma_start3A_72] : memref<4x!tpu.dma_semaphore, #tpu.memory_space<semaphore_mem>> -> memref<1x!tpu.dma_semaphore, #tpu.memory_space<semaphore_mem>>
      %dma_start3A_74 = tpu.memref_squeeze %dma_start3A_73 : memref<1x!tpu.dma_semaphore, #tpu.memory_space<semaphore_mem>> -> memref<!tpu.dma_semaphore, #tpu.memory_space<semaphore_mem>>
      %dma_start3A_75 = arith.constant 0 : i32
      %dma_start3A_76 = arith.constant 0 : i32
      %dma_start3A_77 = tpu.memref_slice %arg9[%dma_start3A, %dma_start3A_75, %dma_start3A_76] : memref<4x16x100000xf32, #tpu.memory_space<vmem>> -> memref<1x16x100000xf32, #tpu.memory_space<vmem>>
      %dma_start3A_78 = tpu.memref_squeeze %dma_start3A_77 : memref<1x16x100000xf32, #tpu.memory_space<vmem>> -> memref<16x100000xf32, #tpu.memory_space<vmem>>
      %dma_start3A_79 = arith.constant 0 : i32
      %dma_start3A_80 = arith.constant 0 : i32
      %dma_start3A_81 = tpu.memref_slice %arg4[%dma_start3A_79, %dma_start3A_80] : memref<200x100000xf32, #tpu.memory_space<hbm>> -> memref<16x100000xf32, #tpu.memory_space<hbm>>
      tpu.enqueue_dma source(%dma_start3A_81 : memref<16x100000xf32, #tpu.memory_space<hbm>>) target(%dma_start3A_78 : memref<16x100000xf32, #tpu.memory_space<vmem>>) target_semaphore(%dma_start3A_74 : memref<!tpu.dma_semaphore, #tpu.memory_space<semaphore_mem>>)
      %dma_start3A_82 = arith.constant 1 : i32
      %dma_start3A_83 = arith.constant 1 : i32
      %dma_start3A_84 = tpu.memref_slice %arg10[%dma_start3A_83] : memref<4x!tpu.dma_semaphore, #tpu.memory_space<semaphore_mem>> -> memref<1x!tpu.dma_semaphore, #tpu.memory_space<semaphore_mem>>
      %dma_start3A_85 = tpu.memref_squeeze %dma_start3A_84 : memref<1x!tpu.dma_semaphore, #tpu.memory_space<semaphore_mem>> -> memref<!tpu.dma_semaphore, #tpu.memory_space<semaphore_mem>>
      %dma_start3A_86 = arith.constant 0 : i32
      %dma_start3A_87 = arith.constant 0 : i32
      %dma_start3A_88 = tpu.memref_slice %arg9[%dma_start3A_82, %dma_start3A_86, %dma_start3A_87] : memref<4x16x100000xf32, #tpu.memory_space<vmem>> -> memref<1x16x100000xf32, #tpu.memory_space<vmem>>
      %dma_start3A_89 = tpu.memref_squeeze %dma_start3A_88 : memref<1x16x100000xf32, #tpu.memory_space<vmem>> -> memref<16x100000xf32, #tpu.memory_space<vmem>>
      %dma_start3A_90 = arith.constant 16 : i32
      %dma_start3A_91 = arith.constant 0 : i32
      %dma_start3A_92 = tpu.memref_slice %arg4[%dma_start3A_90, %dma_start3A_91] : memref<200x100000xf32, #tpu.memory_space<hbm>> -> memref<16x100000xf32, #tpu.memory_space<hbm>>
      tpu.enqueue_dma source(%dma_start3A_92 : memref<16x100000xf32, #tpu.memory_space<hbm>>) target(%dma_start3A_89 : memref<16x100000xf32, #tpu.memory_space<vmem>>) target_semaphore(%dma_start3A_85 : memref<!tpu.dma_semaphore, #tpu.memory_space<semaphore_mem>>)
      %dma_start3A_93 = arith.constant 2 : i32
      %dma_start3A_94 = arith.constant 2 : i32
      %dma_start3A_95 = tpu.memref_slice %arg10[%dma_start3A_94] : memref<4x!tpu.dma_semaphore, #tpu.memory_space<semaphore_mem>> -> memref<1x!tpu.dma_semaphore, #tpu.memory_space<semaphore_mem>>
      %dma_start3A_96 = tpu.memref_squeeze %dma_start3A_95 : memref<1x!tpu.dma_semaphore, #tpu.memory_space<semaphore_mem>> -> memref<!tpu.dma_semaphore, #tpu.memory_space<semaphore_mem>>
      %dma_start3A_97 = arith.constant 0 : i32
      %dma_start3A_98 = arith.constant 0 : i32
      %dma_start3A_99 = tpu.memref_slice %arg9[%dma_start3A_93, %dma_start3A_97, %dma_start3A_98] : memref<4x16x100000xf32, #tpu.memory_space<vmem>> -> memref<1x16x100000xf32, #tpu.memory_space<vmem>>
      %dma_start3A_100 = tpu.memref_squeeze %dma_start3A_99 : memref<1x16x100000xf32, #tpu.memory_space<vmem>> -> memref<16x100000xf32, #tpu.memory_space<vmem>>
      %dma_start3A_101 = arith.constant 32 : i32
      %dma_start3A_102 = arith.constant 0 : i32
      %dma_start3A_103 = tpu.memref_slice %arg4[%dma_start3A_101, %dma_start3A_102] : memref<200x100000xf32, #tpu.memory_space<hbm>> -> memref<16x100000xf32, #tpu.memory_space<hbm>>
      tpu.enqueue_dma source(%dma_start3A_103 : memref<16x100000xf32, #tpu.memory_space<hbm>>) target(%dma_start3A_100 : memref<16x100000xf32, #tpu.memory_space<vmem>>) target_semaphore(%dma_start3A_96 : memref<!tpu.dma_semaphore, #tpu.memory_space<semaphore_mem>>)
      %dma_start3A_104 = arith.constant 3 : i32
      %dma_start3A_105 = arith.constant 3 : i32
      %dma_start3A_106 = tpu.memref_slice %arg10[%dma_start3A_105] : memref<4x!tpu.dma_semaphore, #tpu.memory_space<semaphore_mem>> -> memref<1x!tpu.dma_semaphore, #tpu.memory_space<semaphore_mem>>
      %dma_start3A_107 = tpu.memref_squeeze %dma_start3A_106 : memref<1x!tpu.dma_semaphore, #tpu.memory_space<semaphore_mem>> -> memref<!tpu.dma_semaphore, #tpu.memory_space<semaphore_mem>>
      %dma_start3A_108 = arith.constant 0 : i32
      %dma_start3A_109 = arith.constant 0 : i32
      %dma_start3A_110 = tpu.memref_slice %arg9[%dma_start3A_104, %dma_start3A_108, %dma_start3A_109] : memref<4x16x100000xf32, #tpu.memory_space<vmem>> -> memref<1x16x100000xf32, #tpu.memory_space<vmem>>
      %dma_start3A_111 = tpu.memref_squeeze %dma_start3A_110 : memref<1x16x100000xf32, #tpu.memory_space<vmem>> -> memref<16x100000xf32, #tpu.memory_space<vmem>>
      %dma_start3A_112 = arith.constant 48 : i32
      %dma_start3A_113 = arith.constant 0 : i32
      %dma_start3A_114 = tpu.memref_slice %arg4[%dma_start3A_112, %dma_start3A_113] : memref<200x100000xf32, #tpu.memory_space<hbm>> -> memref<16x100000xf32, #tpu.memory_space<hbm>>
      tpu.enqueue_dma source(%dma_start3A_114 : memref<16x100000xf32, #tpu.memory_space<hbm>>) target(%dma_start3A_111 : memref<16x100000xf32, #tpu.memory_space<vmem>>) target_semaphore(%dma_start3A_107 : memref<!tpu.dma_semaphore, #tpu.memory_space<semaphore_mem>>)
      %get3A = arith.constant 0 : index
      %get3A_115 = arith.constant 0 : index
      %get3A_116 = vector.load %arg1[%get3A, %get3A_115] : memref<1x25600xf32, #tpu.memory_space<vmem>>, vector<1x25600xf32>
      %get3A_117 = arith.constant 0 : index
      %get3A_118 = arith.constant 0 : index
      %get3A_119 = vector.load %arg2[%get3A_117, %get3A_118] : memref<200x25600xf32, #tpu.memory_space<vmem>>, vector<200x25600xf32>
      %dot_general3A = arith.constant dense<0.000000e+00> : vector<1x200xf32>
      %dot_general3A_120 = tpu.matmul %get3A_116, %get3A_119, %dot_general3A {dimension_numbers = #tpu.dot_dimension_numbers<[1], [1], [0], [0], [0, 0, 1, 0], [], []>, transpose_lhs_hint = false} : vector<1x25600xf32>, vector<200x25600xf32>, vector<1x200xf32> -> vector<1x200xf32>
      %get3A_121 = arith.constant 0 : index
      %get3A_122 = arith.constant 0 : index
      %get3A_123 = vector.load %arg3[%get3A_121, %get3A_122] : memref<1x200xf32, #tpu.memory_space<vmem>>, vector<1x200xf32>
      %add3A = arith.addf %dot_general3A_120, %get3A_123 : vector<1x200xf32>
      %max3A = arith.constant 0.000000e+00 : f32
      %max3A_124 = vector.broadcast %max3A : f32 to vector<1x200xf32>
      %max3A_125 = arith.maximumf %add3A, %max3A_124 : vector<1x200xf32>
      %swap3A = arith.constant 0 : index
      %swap3A_126 = arith.constant 0 : index
      %swap3A_127 = vector.load %arg8[%swap3A, %swap3A_126] : memref<1x200xf32, #tpu.memory_space<vmem>>, vector<1x200xf32>
      tpu.vector_store %arg8[%swap3A, %swap3A_126], %max3A_125 {strides = array<i32>} : memref<1x200xf32, #tpu.memory_space<vmem>>, vector<1x200xf32>,
    } else {
    }
    %eq3A_2 = arith.constant 1 : i32
    %eq3A_3 = arith.cmpi eq, %arg0, %eq3A_2 : i32
    %convert_element_type3A_4 = arith.extui %eq3A_3 : i1 to i32
    %cond3A_5 = arith.constant 0 : i32
    %cond3A_6 = arith.cmpi ne, %convert_element_type3A_4, %cond3A_5 : i32
    scf.if %cond3A_6 {
      %dma_wait3A = arith.constant 0 : i32
      %dma_wait3A_72 = arith.constant 0 : i32
      %dma_wait3A_73 = tpu.memref_slice %arg10[%dma_wait3A_72] : memref<4x!tpu.dma_semaphore, #tpu.memory_space<semaphore_mem>> -> memref<1x!tpu.dma_semaphore, #tpu.memory_space<semaphore_mem>>
      %dma_wait3A_74 = tpu.memref_squeeze %dma_wait3A_73 : memref<1x!tpu.dma_semaphore, #tpu.memory_space<semaphore_mem>> -> memref<!tpu.dma_semaphore, #tpu.memory_space<semaphore_mem>>
      %dma_wait3A_75 = arith.constant 0 : i32
      %dma_wait3A_76 = arith.constant 0 : i32
      %dma_wait3A_77 = tpu.memref_slice %arg9[%dma_wait3A, %dma_wait3A_75, %dma_wait3A_76] : memref<4x16x100000xf32, #tpu.memory_space<vmem>> -> memref<1x16x100000xf32, #tpu.memory_space<vmem>>
      %dma_wait3A_78 = tpu.memref_squeeze %dma_wait3A_77 : memref<1x16x100000xf32, #tpu.memory_space<vmem>> -> memref<16x100000xf32, #tpu.memory_space<vmem>>
      %dma_wait3A_79 = arith.constant 0 : i32
      %dma_wait3A_80 = arith.constant 0 : i32
      %dma_wait3A_81 = tpu.memref_slice %arg4[%dma_wait3A_79, %dma_wait3A_80] : memref<200x100000xf32, #tpu.memory_space<hbm>> -> memref<16x100000xf32, #tpu.memory_space<hbm>>
      tpu.wait_dma2 semaphore(%dma_wait3A_74 : memref<!tpu.dma_semaphore, #tpu.memory_space<semaphore_mem>>) src(%dma_wait3A_81 : memref<16x100000xf32, #tpu.memory_space<hbm>>) dst(%dma_wait3A_78 : memref<16x100000xf32, #tpu.memory_space<vmem>>)
      %get3A = arith.constant 0 : index
      %get3A_82 = arith.constant 0 : index
      %get3A_83 = vector.load %arg8[%get3A, %get3A_82] : memref<1x200xf32, #tpu.memory_space<vmem>>, vector<1x16xf32>
      %get3A_84 = arith.constant 0 : index
      %get3A_85 = arith.constant 0 : index
      %get3A_86 = arith.constant 0 : index
      %get3A_87 = vector.load %arg9[%get3A_84, %get3A_85, %get3A_86] : memref<4x16x100000xf32, #tpu.memory_space<vmem>>, vector<1x16x100000xf32>
      %get3A_88 = vector.shape_cast %get3A_87 : vector<1x16x100000xf32> to vector<16x100000xf32>
      %dot_general3A = arith.constant dense<0.000000e+00> : vector<1x100000xf32>
      %dot_general3A_89 = tpu.matmul %get3A_83, %get3A_88, %dot_general3A {dimension_numbers = #tpu.dot_dimension_numbers<[1], [0], [0], [1], [0, 0, 1, 1], [], []>, transpose_lhs_hint = false} : vector<1x16xf32>, vector<16x100000xf32>, vector<1x100000xf32> -> vector<1x100000xf32>
      %get3A_90 = arith.constant 0 : index
      %get3A_91 = vector.load %arg5[%get3A_90] : memref<100000xf32, #tpu.memory_space<vmem>>, vector<100000xf32>
      %reshape3A = vector.shape_cast %get3A_91 : vector<100000xf32> to vector<1x100000xf32>
      %add3A = arith.addf %dot_general3A_89, %reshape3A : vector<1x100000xf32>
      %swap3A = arith.constant 0 : index
      %swap3A_92 = arith.constant 0 : index
      %swap3A_93 = vector.load %arg7[%swap3A, %swap3A_92] : memref<1x100000xf32, #tpu.memory_space<vmem>>, vector<1x100000xf32>
      tpu.vector_store %arg7[%swap3A, %swap3A_92], %add3A {strides = array<i32>} : memref<1x100000xf32, #tpu.memory_space<vmem>>, vector<1x100000xf32>,
      %dma_start3A = arith.constant 0 : i32
      %dma_start3A_94 = arith.constant 0 : i32
      %dma_start3A_95 = tpu.memref_slice %arg10[%dma_start3A_94] : memref<4x!tpu.dma_semaphore, #tpu.memory_space<semaphore_mem>> -> memref<1x!tpu.dma_semaphore, #tpu.memory_space<semaphore_mem>>
      %dma_start3A_96 = tpu.memref_squeeze %dma_start3A_95 : memref<1x!tpu.dma_semaphore, #tpu.memory_space<semaphore_mem>> -> memref<!tpu.dma_semaphore, #tpu.memory_space<semaphore_mem>>
      %dma_start3A_97 = arith.constant 0 : i32
      %dma_start3A_98 = arith.constant 0 : i32
      %dma_start3A_99 = tpu.memref_slice %arg9[%dma_start3A, %dma_start3A_97, %dma_start3A_98] : memref<4x16x100000xf32, #tpu.memory_space<vmem>> -> memref<1x16x100000xf32, #tpu.memory_space<vmem>>
      %dma_start3A_100 = tpu.memref_squeeze %dma_start3A_99 : memref<1x16x100000xf32, #tpu.memory_space<vmem>> -> memref<16x100000xf32, #tpu.memory_space<vmem>>
      %dma_start3A_101 = arith.constant 64 : i32
      %dma_start3A_102 = arith.constant 0 : i32
      %dma_start3A_103 = tpu.memref_slice %arg4[%dma_start3A_101, %dma_start3A_102] : memref<200x100000xf32, #tpu.memory_space<hbm>> -> memref<16x100000xf32, #tpu.memory_space<hbm>>
      tpu.enqueue_dma source(%dma_start3A_103 : memref<16x100000xf32, #tpu.memory_space<hbm>>) target(%dma_start3A_100 : memref<16x100000xf32, #tpu.memory_space<vmem>>) target_semaphore(%dma_start3A_96 : memref<!tpu.dma_semaphore, #tpu.memory_space<semaphore_mem>>)
    } else {
    }
    %eq3A_7 = arith.constant 2 : i32
    %eq3A_8 = arith.cmpi eq, %arg0, %eq3A_7 : i32
    %convert_element_type3A_9 = arith.extui %eq3A_8 : i1 to i32
    %cond3A_10 = arith.constant 0 : i32
    %cond3A_11 = arith.cmpi ne, %convert_element_type3A_9, %cond3A_10 : i32
    scf.if %cond3A_11 {
      %dma_wait3A = arith.constant 1 : i32
      %dma_wait3A_72 = arith.constant 1 : i32
      %dma_wait3A_73 = tpu.memref_slice %arg10[%dma_wait3A_72] : memref<4x!tpu.dma_semaphore, #tpu.memory_space<semaphore_mem>> -> memref<1x!tpu.dma_semaphore, #tpu.memory_space<semaphore_mem>>
      %dma_wait3A_74 = tpu.memref_squeeze %dma_wait3A_73 : memref<1x!tpu.dma_semaphore, #tpu.memory_space<semaphore_mem>> -> memref<!tpu.dma_semaphore, #tpu.memory_space<semaphore_mem>>
      %dma_wait3A_75 = arith.constant 0 : i32
      %dma_wait3A_76 = arith.constant 0 : i32
      %dma_wait3A_77 = tpu.memref_slice %arg9[%dma_wait3A, %dma_wait3A_75, %dma_wait3A_76] : memref<4x16x100000xf32, #tpu.memory_space<vmem>> -> memref<1x16x100000xf32, #tpu.memory_space<vmem>>
      %dma_wait3A_78 = tpu.memref_squeeze %dma_wait3A_77 : memref<1x16x100000xf32, #tpu.memory_space<vmem>> -> memref<16x100000xf32, #tpu.memory_space<vmem>>
      %dma_wait3A_79 = arith.constant 16 : i32
      %dma_wait3A_80 = arith.constant 0 : i32
      %dma_wait3A_81 = tpu.memref_slice %arg4[%dma_wait3A_79, %dma_wait3A_80] : memref<200x100000xf32, #tpu.memory_space<hbm>> -> memref<16x100000xf32, #tpu.memory_space<hbm>>
      tpu.wait_dma2 semaphore(%dma_wait3A_74 : memref<!tpu.dma_semaphore, #tpu.memory_space<semaphore_mem>>) src(%dma_wait3A_81 : memref<16x100000xf32, #tpu.memory_space<hbm>>) dst(%dma_wait3A_78 : memref<16x100000xf32, #tpu.memory_space<vmem>>)
      %get3A = arith.constant 0 : index
      %get3A_82 = arith.constant 16 : index
      %get3A_83 = vector.load %arg8[%get3A, %get3A_82] : memref<1x200xf32, #tpu.memory_space<vmem>>, vector<1x16xf32>
      %get3A_84 = arith.constant 1 : index
      %get3A_85 = arith.constant 0 : index
      %get3A_86 = arith.constant 0 : index
      %get3A_87 = vector.load %arg9[%get3A_84, %get3A_85, %get3A_86] : memref<4x16x100000xf32, #tpu.memory_space<vmem>>, vector<1x16x100000xf32>
      %get3A_88 = vector.shape_cast %get3A_87 : vector<1x16x100000xf32> to vector<16x100000xf32>
      %dot_general3A = arith.constant dense<0.000000e+00> : vector<1x100000xf32>
      %dot_general3A_89 = tpu.matmul %get3A_83, %get3A_88, %dot_general3A {dimension_numbers = #tpu.dot_dimension_numbers<[1], [0], [0], [1], [0, 0, 1, 1], [], []>, transpose_lhs_hint = false} : vector<1x16xf32>, vector<16x100000xf32>, vector<1x100000xf32> -> vector<1x100000xf32>
      %get3A_90 = arith.constant 0 : index
      %get3A_91 = arith.constant 0 : index
      %get3A_92 = vector.load %arg7[%get3A_90, %get3A_91] : memref<1x100000xf32, #tpu.memory_space<vmem>>, vector<1x100000xf32>
      %add3A = arith.addf %get3A_92, %dot_general3A_89 : vector<1x100000xf32>
      %swap3A = arith.constant 0 : index
      %swap3A_93 = arith.constant 0 : index
      %swap3A_94 = vector.load %arg7[%swap3A, %swap3A_93] : memref<1x100000xf32, #tpu.memory_space<vmem>>, vector<1x100000xf32>
      tpu.vector_store %arg7[%swap3A, %swap3A_93], %add3A {strides = array<i32>} : memref<1x100000xf32, #tpu.memory_space<vmem>>, vector<1x100000xf32>,
      %dma_start3A = arith.constant 1 : i32
      %dma_start3A_95 = arith.constant 1 : i32
      %dma_start3A_96 = tpu.memref_slice %arg10[%dma_start3A_95] : memref<4x!tpu.dma_semaphore, #tpu.memory_space<semaphore_mem>> -> memref<1x!tpu.dma_semaphore, #tpu.memory_space<semaphore_mem>>
      %dma_start3A_97 = tpu.memref_squeeze %dma_start3A_96 : memref<1x!tpu.dma_semaphore, #tpu.memory_space<semaphore_mem>> -> memref<!tpu.dma_semaphore, #tpu.memory_space<semaphore_mem>>
      %dma_start3A_98 = arith.constant 0 : i32
      %dma_start3A_99 = arith.constant 0 : i32
      %dma_start3A_100 = tpu.memref_slice %arg9[%dma_start3A, %dma_start3A_98, %dma_start3A_99] : memref<4x16x100000xf32, #tpu.memory_space<vmem>> -> memref<1x16x100000xf32, #tpu.memory_space<vmem>>
      %dma_start3A_101 = tpu.memref_squeeze %dma_start3A_100 : memref<1x16x100000xf32, #tpu.memory_space<vmem>> -> memref<16x100000xf32, #tpu.memory_space<vmem>>
      %dma_start3A_102 = arith.constant 80 : i32
      %dma_start3A_103 = arith.constant 0 : i32
      %dma_start3A_104 = tpu.memref_slice %arg4[%dma_start3A_102, %dma_start3A_103] : memref<200x100000xf32, #tpu.memory_space<hbm>> -> memref<16x100000xf32, #tpu.memory_space<hbm>>
      tpu.enqueue_dma source(%dma_start3A_104 : memref<16x100000xf32, #tpu.memory_space<hbm>>) target(%dma_start3A_101 : memref<16x100000xf32, #tpu.memory_space<vmem>>) target_semaphore(%dma_start3A_97 : memref<!tpu.dma_semaphore, #tpu.memory_space<semaphore_mem>>)
    } else {
    }
    %eq3A_12 = arith.constant 3 : i32
    %eq3A_13 = arith.cmpi eq, %arg0, %eq3A_12 : i32
    %convert_element_type3A_14 = arith.extui %eq3A_13 : i1 to i32
    %cond3A_15 = arith.constant 0 : i32
    %cond3A_16 = arith.cmpi ne, %convert_element_type3A_14, %cond3A_15 : i32
    scf.if %cond3A_16 {
      %dma_wait3A = arith.constant 2 : i32
      %dma_wait3A_72 = arith.constant 2 : i32
      %dma_wait3A_73 = tpu.memref_slice %arg10[%dma_wait3A_72] : memref<4x!tpu.dma_semaphore, #tpu.memory_space<semaphore_mem>> -> memref<1x!tpu.dma_semaphore, #tpu.memory_space<semaphore_mem>>
      %dma_wait3A_74 = tpu.memref_squeeze %dma_wait3A_73 : memref<1x!tpu.dma_semaphore, #tpu.memory_space<semaphore_mem>> -> memref<!tpu.dma_semaphore, #tpu.memory_space<semaphore_mem>>
      %dma_wait3A_75 = arith.constant 0 : i32
      %dma_wait3A_76 = arith.constant 0 : i32
      %dma_wait3A_77 = tpu.memref_slice %arg9[%dma_wait3A, %dma_wait3A_75, %dma_wait3A_76] : memref<4x16x100000xf32, #tpu.memory_space<vmem>> -> memref<1x16x100000xf32, #tpu.memory_space<vmem>>
      %dma_wait3A_78 = tpu.memref_squeeze %dma_wait3A_77 : memref<1x16x100000xf32, #tpu.memory_space<vmem>> -> memref<16x100000xf32, #tpu.memory_space<vmem>>
      %dma_wait3A_79 = arith.constant 32 : i32
      %dma_wait3A_80 = arith.constant 0 : i32
      %dma_wait3A_81 = tpu.memref_slice %arg4[%dma_wait3A_79, %dma_wait3A_80] : memref<200x100000xf32, #tpu.memory_space<hbm>> -> memref<16x100000xf32, #tpu.memory_space<hbm>>
      tpu.wait_dma2 semaphore(%dma_wait3A_74 : memref<!tpu.dma_semaphore, #tpu.memory_space<semaphore_mem>>) src(%dma_wait3A_81 : memref<16x100000xf32, #tpu.memory_space<hbm>>) dst(%dma_wait3A_78 : memref<16x100000xf32, #tpu.memory_space<vmem>>)
      %get3A = arith.constant 0 : index
      %get3A_82 = arith.constant 32 : index
      %get3A_83 = vector.load %arg8[%get3A, %get3A_82] : memref<1x200xf32, #tpu.memory_space<vmem>>, vector<1x16xf32>
      %get3A_84 = arith.constant 2 : index
      %get3A_85 = arith.constant 0 : index
      %get3A_86 = arith.constant 0 : index
      %get3A_87 = vector.load %arg9[%get3A_84, %get3A_85, %get3A_86] : memref<4x16x100000xf32, #tpu.memory_space<vmem>>, vector<1x16x100000xf32>
      %get3A_88 = vector.shape_cast %get3A_87 : vector<1x16x100000xf32> to vector<16x100000xf32>
      %dot_general3A = arith.constant dense<0.000000e+00> : vector<1x100000xf32>
      %dot_general3A_89 = tpu.matmul %get3A_83, %get3A_88, %dot_general3A {dimension_numbers = #tpu.dot_dimension_numbers<[1], [0], [0], [1], [0, 0, 1, 1], [], []>, transpose_lhs_hint = false} : vector<1x16xf32>, vector<16x100000xf32>, vector<1x100000xf32> -> vector<1x100000xf32>
      %get3A_90 = arith.constant 0 : index
      %get3A_91 = arith.constant 0 : index
      %get3A_92 = vector.load %arg7[%get3A_90, %get3A_91] : memref<1x100000xf32, #tpu.memory_space<vmem>>, vector<1x100000xf32>
      %add3A = arith.addf %get3A_92, %dot_general3A_89 : vector<1x100000xf32>
      %swap3A = arith.constant 0 : index
      %swap3A_93 = arith.constant 0 : index
      %swap3A_94 = vector.load %arg7[%swap3A, %swap3A_93] : memref<1x100000xf32, #tpu.memory_space<vmem>>, vector<1x100000xf32>
      tpu.vector_store %arg7[%swap3A, %swap3A_93], %add3A {strides = array<i32>} : memref<1x100000xf32, #tpu.memory_space<vmem>>, vector<1x100000xf32>,
      %dma_start3A = arith.constant 2 : i32
      %dma_start3A_95 = arith.constant 2 : i32
      %dma_start3A_96 = tpu.memref_slice %arg10[%dma_start3A_95] : memref<4x!tpu.dma_semaphore, #tpu.memory_space<semaphore_mem>> -> memref<1x!tpu.dma_semaphore, #tpu.memory_space<semaphore_mem>>
      %dma_start3A_97 = tpu.memref_squeeze %dma_start3A_96 : memref<1x!tpu.dma_semaphore, #tpu.memory_space<semaphore_mem>> -> memref<!tpu.dma_semaphore, #tpu.memory_space<semaphore_mem>>
      %dma_start3A_98 = arith.constant 0 : i32
      %dma_start3A_99 = arith.constant 0 : i32
      %dma_start3A_100 = tpu.memref_slice %arg9[%dma_start3A, %dma_start3A_98, %dma_start3A_99] : memref<4x16x100000xf32, #tpu.memory_space<vmem>> -> memref<1x16x100000xf32, #tpu.memory_space<vmem>>
      %dma_start3A_101 = tpu.memref_squeeze %dma_start3A_100 : memref<1x16x100000xf32, #tpu.memory_space<vmem>> -> memref<16x100000xf32, #tpu.memory_space<vmem>>
      %dma_start3A_102 = arith.constant 96 : i32
      %dma_start3A_103 = arith.constant 0 : i32
      %dma_start3A_104 = tpu.memref_slice %arg4[%dma_start3A_102, %dma_start3A_103] : memref<200x100000xf32, #tpu.memory_space<hbm>> -> memref<16x100000xf32, #tpu.memory_space<hbm>>
      tpu.enqueue_dma source(%dma_start3A_104 : memref<16x100000xf32, #tpu.memory_space<hbm>>) target(%dma_start3A_101 : memref<16x100000xf32, #tpu.memory_space<vmem>>) target_semaphore(%dma_start3A_97 : memref<!tpu.dma_semaphore, #tpu.memory_space<semaphore_mem>>)
    } else {
    }
    %eq3A_17 = arith.constant 4 : i32
    %eq3A_18 = arith.cmpi eq, %arg0, %eq3A_17 : i32
    %convert_element_type3A_19 = arith.extui %eq3A_18 : i1 to i32
    %cond3A_20 = arith.constant 0 : i32
    %cond3A_21 = arith.cmpi ne, %convert_element_type3A_19, %cond3A_20 : i32
    scf.if %cond3A_21 {
      %dma_wait3A = arith.constant 3 : i32
      %dma_wait3A_72 = arith.constant 3 : i32
      %dma_wait3A_73 = tpu.memref_slice %arg10[%dma_wait3A_72] : memref<4x!tpu.dma_semaphore, #tpu.memory_space<semaphore_mem>> -> memref<1x!tpu.dma_semaphore, #tpu.memory_space<semaphore_mem>>
      %dma_wait3A_74 = tpu.memref_squeeze %dma_wait3A_73 : memref<1x!tpu.dma_semaphore, #tpu.memory_space<semaphore_mem>> -> memref<!tpu.dma_semaphore, #tpu.memory_space<semaphore_mem>>
      %dma_wait3A_75 = arith.constant 0 : i32
      %dma_wait3A_76 = arith.constant 0 : i32
      %dma_wait3A_77 = tpu.memref_slice %arg9[%dma_wait3A, %dma_wait3A_75, %dma_wait3A_76] : memref<4x16x100000xf32, #tpu.memory_space<vmem>> -> memref<1x16x100000xf32, #tpu.memory_space<vmem>>
      %dma_wait3A_78 = tpu.memref_squeeze %dma_wait3A_77 : memref<1x16x100000xf32, #tpu.memory_space<vmem>> -> memref<16x100000xf32, #tpu.memory_space<vmem>>
      %dma_wait3A_79 = arith.constant 48 : i32
      %dma_wait3A_80 = arith.constant 0 : i32
      %dma_wait3A_81 = tpu.memref_slice %arg4[%dma_wait3A_79, %dma_wait3A_80] : memref<200x100000xf32, #tpu.memory_space<hbm>> -> memref<16x100000xf32, #tpu.memory_space<hbm>>
      tpu.wait_dma2 semaphore(%dma_wait3A_74 : memref<!tpu.dma_semaphore, #tpu.memory_space<semaphore_mem>>) src(%dma_wait3A_81 : memref<16x100000xf32, #tpu.memory_space<hbm>>) dst(%dma_wait3A_78 : memref<16x100000xf32, #tpu.memory_space<vmem>>)
      %get3A = arith.constant 0 : index
      %get3A_82 = arith.constant 48 : index
      %get3A_83 = vector.load %arg8[%get3A, %get3A_82] : memref<1x200xf32, #tpu.memory_space<vmem>>, vector<1x16xf32>
      %get3A_84 = arith.constant 3 : index
      %get3A_85 = arith.constant 0 : index
      %get3A_86 = arith.constant 0 : index
      %get3A_87 = vector.load %arg9[%get3A_84, %get3A_85, %get3A_86] : memref<4x16x100000xf32, #tpu.memory_space<vmem>>, vector<1x16x100000xf32>
      %get3A_88 = vector.shape_cast %get3A_87 : vector<1x16x100000xf32> to vector<16x100000xf32>
      %dot_general3A = arith.constant dense<0.000000e+00> : vector<1x100000xf32>
      %dot_general3A_89 = tpu.matmul %get3A_83, %get3A_88, %dot_general3A {dimension_numbers = #tpu.dot_dimension_numbers<[1], [0], [0], [1], [0, 0, 1, 1], [], []>, transpose_lhs_hint = false} : vector<1x16xf32>, vector<16x100000xf32>, vector<1x100000xf32> -> vector<1x100000xf32>
      %get3A_90 = arith.constant 0 : index
      %get3A_91 = arith.constant 0 : index
      %get3A_92 = vector.load %arg7[%get3A_90, %get3A_91] : memref<1x100000xf32, #tpu.memory_space<vmem>>, vector<1x100000xf32>
      %add3A = arith.addf %get3A_92, %dot_general3A_89 : vector<1x100000xf32>
      %swap3A = arith.constant 0 : index
      %swap3A_93 = arith.constant 0 : index
      %swap3A_94 = vector.load %arg7[%swap3A, %swap3A_93] : memref<1x100000xf32, #tpu.memory_space<vmem>>, vector<1x100000xf32>
      tpu.vector_store %arg7[%swap3A, %swap3A_93], %add3A {strides = array<i32>} : memref<1x100000xf32, #tpu.memory_space<vmem>>, vector<1x100000xf32>,
      %dma_start3A = arith.constant 3 : i32
      %dma_start3A_95 = arith.constant 3 : i32
      %dma_start3A_96 = tpu.memref_slice %arg10[%dma_start3A_95] : memref<4x!tpu.dma_semaphore, #tpu.memory_space<semaphore_mem>> -> memref<1x!tpu.dma_semaphore, #tpu.memory_space<semaphore_mem>>
      %dma_start3A_97 = tpu.memref_squeeze %dma_start3A_96 : memref<1x!tpu.dma_semaphore, #tpu.memory_space<semaphore_mem>> -> memref<!tpu.dma_semaphore, #tpu.memory_space<semaphore_mem>>
      %dma_start3A_98 = arith.constant 0 : i32
      %dma_start3A_99 = arith.constant 0 : i32
      %dma_start3A_100 = tpu.memref_slice %arg9[%dma_start3A, %dma_start3A_98, %dma_start3A_99] : memref<4x16x100000xf32, #tpu.memory_space<vmem>> -> memref<1x16x100000xf32, #tpu.memory_space<vmem>>
      %dma_start3A_101 = tpu.memref_squeeze %dma_start3A_100 : memref<1x16x100000xf32, #tpu.memory_space<vmem>> -> memref<16x100000xf32, #tpu.memory_space<vmem>>
      %dma_start3A_102 = arith.constant 112 : i32
      %dma_start3A_103 = arith.constant 0 : i32
      %dma_start3A_104 = tpu.memref_slice %arg4[%dma_start3A_102, %dma_start3A_103] : memref<200x100000xf32, #tpu.memory_space<hbm>> -> memref<16x100000xf32, #tpu.memory_space<hbm>>
      tpu.enqueue_dma source(%dma_start3A_104 : memref<16x100000xf32, #tpu.memory_space<hbm>>) target(%dma_start3A_101 : memref<16x100000xf32, #tpu.memory_space<vmem>>) target_semaphore(%dma_start3A_97 : memref<!tpu.dma_semaphore, #tpu.memory_space<semaphore_mem>>)
    } else {
    }
    %eq3A_22 = arith.constant 5 : i32
    %eq3A_23 = arith.cmpi eq, %arg0, %eq3A_22 : i32
    %convert_element_type3A_24 = arith.extui %eq3A_23 : i1 to i32
    %cond3A_25 = arith.constant 0 : i32
    %cond3A_26 = arith.cmpi ne, %convert_element_type3A_24, %cond3A_25 : i32
    scf.if %cond3A_26 {
      %dma_wait3A = arith.constant 0 : i32
      %dma_wait3A_72 = arith.constant 0 : i32
      %dma_wait3A_73 = tpu.memref_slice %arg10[%dma_wait3A_72] : memref<4x!tpu.dma_semaphore, #tpu.memory_space<semaphore_mem>> -> memref<1x!tpu.dma_semaphore, #tpu.memory_space<semaphore_mem>>
      %dma_wait3A_74 = tpu.memref_squeeze %dma_wait3A_73 : memref<1x!tpu.dma_semaphore, #tpu.memory_space<semaphore_mem>> -> memref<!tpu.dma_semaphore, #tpu.memory_space<semaphore_mem>>
      %dma_wait3A_75 = arith.constant 0 : i32
      %dma_wait3A_76 = arith.constant 0 : i32
      %dma_wait3A_77 = tpu.memref_slice %arg9[%dma_wait3A, %dma_wait3A_75, %dma_wait3A_76] : memref<4x16x100000xf32, #tpu.memory_space<vmem>> -> memref<1x16x100000xf32, #tpu.memory_space<vmem>>
      %dma_wait3A_78 = tpu.memref_squeeze %dma_wait3A_77 : memref<1x16x100000xf32, #tpu.memory_space<vmem>> -> memref<16x100000xf32, #tpu.memory_space<vmem>>
      %dma_wait3A_79 = arith.constant 64 : i32
      %dma_wait3A_80 = arith.constant 0 : i32
      %dma_wait3A_81 = tpu.memref_slice %arg4[%dma_wait3A_79, %dma_wait3A_80] : memref<200x100000xf32, #tpu.memory_space<hbm>> -> memref<16x100000xf32, #tpu.memory_space<hbm>>
      tpu.wait_dma2 semaphore(%dma_wait3A_74 : memref<!tpu.dma_semaphore, #tpu.memory_space<semaphore_mem>>) src(%dma_wait3A_81 : memref<16x100000xf32, #tpu.memory_space<hbm>>) dst(%dma_wait3A_78 : memref<16x100000xf32, #tpu.memory_space<vmem>>)
      %get3A = arith.constant 0 : index
      %get3A_82 = arith.constant 64 : index
      %get3A_83 = vector.load %arg8[%get3A, %get3A_82] : memref<1x200xf32, #tpu.memory_space<vmem>>, vector<1x16xf32>
      %get3A_84 = arith.constant 0 : index
      %get3A_85 = arith.constant 0 : index
      %get3A_86 = arith.constant 0 : index
      %get3A_87 = vector.load %arg9[%get3A_84, %get3A_85, %get3A_86] : memref<4x16x100000xf32, #tpu.memory_space<vmem>>, vector<1x16x100000xf32>
      %get3A_88 = vector.shape_cast %get3A_87 : vector<1x16x100000xf32> to vector<16x100000xf32>
      %dot_general3A = arith.constant dense<0.000000e+00> : vector<1x100000xf32>
      %dot_general3A_89 = tpu.matmul %get3A_83, %get3A_88, %dot_general3A {dimension_numbers = #tpu.dot_dimension_numbers<[1], [0], [0], [1], [0, 0, 1, 1], [], []>, transpose_lhs_hint = false} : vector<1x16xf32>, vector<16x100000xf32>, vector<1x100000xf32> -> vector<1x100000xf32>
      %get3A_90 = arith.constant 0 : index
      %get3A_91 = arith.constant 0 : index
      %get3A_92 = vector.load %arg7[%get3A_90, %get3A_91] : memref<1x100000xf32, #tpu.memory_space<vmem>>, vector<1x100000xf32>
      %add3A = arith.addf %get3A_92, %dot_general3A_89 : vector<1x100000xf32>
      %swap3A = arith.constant 0 : index
      %swap3A_93 = arith.constant 0 : index
      %swap3A_94 = vector.load %arg7[%swap3A, %swap3A_93] : memref<1x100000xf32, #tpu.memory_space<vmem>>, vector<1x100000xf32>
      tpu.vector_store %arg7[%swap3A, %swap3A_93], %add3A {strides = array<i32>} : memref<1x100000xf32, #tpu.memory_space<vmem>>, vector<1x100000xf32>,
      %dma_start3A = arith.constant 0 : i32
      %dma_start3A_95 = arith.constant 0 : i32
      %dma_start3A_96 = tpu.memref_slice %arg10[%dma_start3A_95] : memref<4x!tpu.dma_semaphore, #tpu.memory_space<semaphore_mem>> -> memref<1x!tpu.dma_semaphore, #tpu.memory_space<semaphore_mem>>
      %dma_start3A_97 = tpu.memref_squeeze %dma_start3A_96 : memref<1x!tpu.dma_semaphore, #tpu.memory_space<semaphore_mem>> -> memref<!tpu.dma_semaphore, #tpu.memory_space<semaphore_mem>>
      %dma_start3A_98 = arith.constant 0 : i32
      %dma_start3A_99 = arith.constant 0 : i32
      %dma_start3A_100 = tpu.memref_slice %arg9[%dma_start3A, %dma_start3A_98, %dma_start3A_99] : memref<4x16x100000xf32, #tpu.memory_space<vmem>> -> memref<1x16x100000xf32, #tpu.memory_space<vmem>>
      %dma_start3A_101 = tpu.memref_squeeze %dma_start3A_100 : memref<1x16x100000xf32, #tpu.memory_space<vmem>> -> memref<16x100000xf32, #tpu.memory_space<vmem>>
      %dma_start3A_102 = arith.constant 128 : i32
      %dma_start3A_103 = arith.constant 0 : i32
      %dma_start3A_104 = tpu.memref_slice %arg4[%dma_start3A_102, %dma_start3A_103] : memref<200x100000xf32, #tpu.memory_space<hbm>> -> memref<16x100000xf32, #tpu.memory_space<hbm>>
      tpu.enqueue_dma source(%dma_start3A_104 : memref<16x100000xf32, #tpu.memory_space<hbm>>) target(%dma_start3A_101 : memref<16x100000xf32, #tpu.memory_space<vmem>>) target_semaphore(%dma_start3A_97 : memref<!tpu.dma_semaphore, #tpu.memory_space<semaphore_mem>>)
    } else {
    }
    %eq3A_27 = arith.constant 6 : i32
    %eq3A_28 = arith.cmpi eq, %arg0, %eq3A_27 : i32
    %convert_element_type3A_29 = arith.extui %eq3A_28 : i1 to i32
    %cond3A_30 = arith.constant 0 : i32
    %cond3A_31 = arith.cmpi ne, %convert_element_type3A_29, %cond3A_30 : i32
    scf.if %cond3A_31 {
      %dma_wait3A = arith.constant 1 : i32
      %dma_wait3A_72 = arith.constant 1 : i32
      %dma_wait3A_73 = tpu.memref_slice %arg10[%dma_wait3A_72] : memref<4x!tpu.dma_semaphore, #tpu.memory_space<semaphore_mem>> -> memref<1x!tpu.dma_semaphore, #tpu.memory_space<semaphore_mem>>
      %dma_wait3A_74 = tpu.memref_squeeze %dma_wait3A_73 : memref<1x!tpu.dma_semaphore, #tpu.memory_space<semaphore_mem>> -> memref<!tpu.dma_semaphore, #tpu.memory_space<semaphore_mem>>
      %dma_wait3A_75 = arith.constant 0 : i32
      %dma_wait3A_76 = arith.constant 0 : i32
      %dma_wait3A_77 = tpu.memref_slice %arg9[%dma_wait3A, %dma_wait3A_75, %dma_wait3A_76] : memref<4x16x100000xf32, #tpu.memory_space<vmem>> -> memref<1x16x100000xf32, #tpu.memory_space<vmem>>
      %dma_wait3A_78 = tpu.memref_squeeze %dma_wait3A_77 : memref<1x16x100000xf32, #tpu.memory_space<vmem>> -> memref<16x100000xf32, #tpu.memory_space<vmem>>
      %dma_wait3A_79 = arith.constant 80 : i32
      %dma_wait3A_80 = arith.constant 0 : i32
      %dma_wait3A_81 = tpu.memref_slice %arg4[%dma_wait3A_79, %dma_wait3A_80] : memref<200x100000xf32, #tpu.memory_space<hbm>> -> memref<16x100000xf32, #tpu.memory_space<hbm>>
      tpu.wait_dma2 semaphore(%dma_wait3A_74 : memref<!tpu.dma_semaphore, #tpu.memory_space<semaphore_mem>>) src(%dma_wait3A_81 : memref<16x100000xf32, #tpu.memory_space<hbm>>) dst(%dma_wait3A_78 : memref<16x100000xf32, #tpu.memory_space<vmem>>)
      %get3A = arith.constant 0 : index
      %get3A_82 = arith.constant 80 : index
      %get3A_83 = vector.load %arg8[%get3A, %get3A_82] : memref<1x200xf32, #tpu.memory_space<vmem>>, vector<1x16xf32>
      %get3A_84 = arith.constant 1 : index
      %get3A_85 = arith.constant 0 : index
      %get3A_86 = arith.constant 0 : index
      %get3A_87 = vector.load %arg9[%get3A_84, %get3A_85, %get3A_86] : memref<4x16x100000xf32, #tpu.memory_space<vmem>>, vector<1x16x100000xf32>
      %get3A_88 = vector.shape_cast %get3A_87 : vector<1x16x100000xf32> to vector<16x100000xf32>
      %dot_general3A = arith.constant dense<0.000000e+00> : vector<1x100000xf32>
      %dot_general3A_89 = tpu.matmul %get3A_83, %get3A_88, %dot_general3A {dimension_numbers = #tpu.dot_dimension_numbers<[1], [0], [0], [1], [0, 0, 1, 1], [], []>, transpose_lhs_hint = false} : vector<1x16xf32>, vector<16x100000xf32>, vector<1x100000xf32> -> vector<1x100000xf32>
      %get3A_90 = arith.constant 0 : index
      %get3A_91 = arith.constant 0 : index
      %get3A_92 = vector.load %arg7[%get3A_90, %get3A_91] : memref<1x100000xf32, #tpu.memory_space<vmem>>, vector<1x100000xf32>
      %add3A = arith.addf %get3A_92, %dot_general3A_89 : vector<1x100000xf32>
      %swap3A = arith.constant 0 : index
      %swap3A_93 = arith.constant 0 : index
      %swap3A_94 = vector.load %arg7[%swap3A, %swap3A_93] : memref<1x100000xf32, #tpu.memory_space<vmem>>, vector<1x100000xf32>
      tpu.vector_store %arg7[%swap3A, %swap3A_93], %add3A {strides = array<i32>} : memref<1x100000xf32, #tpu.memory_space<vmem>>, vector<1x100000xf32>,
      %dma_start3A = arith.constant 1 : i32
      %dma_start3A_95 = arith.constant 1 : i32
      %dma_start3A_96 = tpu.memref_slice %arg10[%dma_start3A_95] : memref<4x!tpu.dma_semaphore, #tpu.memory_space<semaphore_mem>> -> memref<1x!tpu.dma_semaphore, #tpu.memory_space<semaphore_mem>>
      %dma_start3A_97 = tpu.memref_squeeze %dma_start3A_96 : memref<1x!tpu.dma_semaphore, #tpu.memory_space<semaphore_mem>> -> memref<!tpu.dma_semaphore, #tpu.memory_space<semaphore_mem>>
      %dma_start3A_98 = arith.constant 0 : i32
      %dma_start3A_99 = arith.constant 0 : i32
      %dma_start3A_100 = tpu.memref_slice %arg9[%dma_start3A, %dma_start3A_98, %dma_start3A_99] : memref<4x16x100000xf32, #tpu.memory_space<vmem>> -> memref<1x16x100000xf32, #tpu.memory_space<vmem>>
      %dma_start3A_101 = tpu.memref_squeeze %dma_start3A_100 : memref<1x16x100000xf32, #tpu.memory_space<vmem>> -> memref<16x100000xf32, #tpu.memory_space<vmem>>
      %dma_start3A_102 = arith.constant 144 : i32
      %dma_start3A_103 = arith.constant 0 : i32
      %dma_start3A_104 = tpu.memref_slice %arg4[%dma_start3A_102, %dma_start3A_103] : memref<200x100000xf32, #tpu.memory_space<hbm>> -> memref<16x100000xf32, #tpu.memory_space<hbm>>
      tpu.enqueue_dma source(%dma_start3A_104 : memref<16x100000xf32, #tpu.memory_space<hbm>>) target(%dma_start3A_101 : memref<16x100000xf32, #tpu.memory_space<vmem>>) target_semaphore(%dma_start3A_97 : memref<!tpu.dma_semaphore, #tpu.memory_space<semaphore_mem>>)
    } else {
    }
    %eq3A_32 = arith.constant 7 : i32
    %eq3A_33 = arith.cmpi eq, %arg0, %eq3A_32 : i32
    %convert_element_type3A_34 = arith.extui %eq3A_33 : i1 to i32
    %cond3A_35 = arith.constant 0 : i32
    %cond3A_36 = arith.cmpi ne, %convert_element_type3A_34, %cond3A_35 : i32
    scf.if %cond3A_36 {
      %dma_wait3A = arith.constant 2 : i32
      %dma_wait3A_72 = arith.constant 2 : i32
      %dma_wait3A_73 = tpu.memref_slice %arg10[%dma_wait3A_72] : memref<4x!tpu.dma_semaphore, #tpu.memory_space<semaphore_mem>> -> memref<1x!tpu.dma_semaphore, #tpu.memory_space<semaphore_mem>>
      %dma_wait3A_74 = tpu.memref_squeeze %dma_wait3A_73 : memref<1x!tpu.dma_semaphore, #tpu.memory_space<semaphore_mem>> -> memref<!tpu.dma_semaphore, #tpu.memory_space<semaphore_mem>>
      %dma_wait3A_75 = arith.constant 0 : i32
      %dma_wait3A_76 = arith.constant 0 : i32
      %dma_wait3A_77 = tpu.memref_slice %arg9[%dma_wait3A, %dma_wait3A_75, %dma_wait3A_76] : memref<4x16x100000xf32, #tpu.memory_space<vmem>> -> memref<1x16x100000xf32, #tpu.memory_space<vmem>>
      %dma_wait3A_78 = tpu.memref_squeeze %dma_wait3A_77 : memref<1x16x100000xf32, #tpu.memory_space<vmem>> -> memref<16x100000xf32, #tpu.memory_space<vmem>>
      %dma_wait3A_79 = arith.constant 96 : i32
      %dma_wait3A_80 = arith.constant 0 : i32
      %dma_wait3A_81 = tpu.memref_slice %arg4[%dma_wait3A_79, %dma_wait3A_80] : memref<200x100000xf32, #tpu.memory_space<hbm>> -> memref<16x100000xf32, #tpu.memory_space<hbm>>
      tpu.wait_dma2 semaphore(%dma_wait3A_74 : memref<!tpu.dma_semaphore, #tpu.memory_space<semaphore_mem>>) src(%dma_wait3A_81 : memref<16x100000xf32, #tpu.memory_space<hbm>>) dst(%dma_wait3A_78 : memref<16x100000xf32, #tpu.memory_space<vmem>>)
      %get3A = arith.constant 0 : index
      %get3A_82 = arith.constant 96 : index
      %get3A_83 = vector.load %arg8[%get3A, %get3A_82] : memref<1x200xf32, #tpu.memory_space<vmem>>, vector<1x16xf32>
      %get3A_84 = arith.constant 2 : index
      %get3A_85 = arith.constant 0 : index
      %get3A_86 = arith.constant 0 : index
      %get3A_87 = vector.load %arg9[%get3A_84, %get3A_85, %get3A_86] : memref<4x16x100000xf32, #tpu.memory_space<vmem>>, vector<1x16x100000xf32>
      %get3A_88 = vector.shape_cast %get3A_87 : vector<1x16x100000xf32> to vector<16x100000xf32>
      %dot_general3A = arith.constant dense<0.000000e+00> : vector<1x100000xf32>
      %dot_general3A_89 = tpu.matmul %get3A_83, %get3A_88, %dot_general3A {dimension_numbers = #tpu.dot_dimension_numbers<[1], [0], [0], [1], [0, 0, 1, 1], [], []>, transpose_lhs_hint = false} : vector<1x16xf32>, vector<16x100000xf32>, vector<1x100000xf32> -> vector<1x100000xf32>
      %get3A_90 = arith.constant 0 : index
      %get3A_91 = arith.constant 0 : index
      %get3A_92 = vector.load %arg7[%get3A_90, %get3A_91] : memref<1x100000xf32, #tpu.memory_space<vmem>>, vector<1x100000xf32>
      %add3A = arith.addf %get3A_92, %dot_general3A_89 : vector<1x100000xf32>
      %swap3A = arith.constant 0 : index
      %swap3A_93 = arith.constant 0 : index
      %swap3A_94 = vector.load %arg7[%swap3A, %swap3A_93] : memref<1x100000xf32, #tpu.memory_space<vmem>>, vector<1x100000xf32>
      tpu.vector_store %arg7[%swap3A, %swap3A_93], %add3A {strides = array<i32>} : memref<1x100000xf32, #tpu.memory_space<vmem>>, vector<1x100000xf32>,
      %dma_start3A = arith.constant 2 : i32
      %dma_start3A_95 = arith.constant 2 : i32
      %dma_start3A_96 = tpu.memref_slice %arg10[%dma_start3A_95] : memref<4x!tpu.dma_semaphore, #tpu.memory_space<semaphore_mem>> -> memref<1x!tpu.dma_semaphore, #tpu.memory_space<semaphore_mem>>
      %dma_start3A_97 = tpu.memref_squeeze %dma_start3A_96 : memref<1x!tpu.dma_semaphore, #tpu.memory_space<semaphore_mem>> -> memref<!tpu.dma_semaphore, #tpu.memory_space<semaphore_mem>>
      %dma_start3A_98 = arith.constant 0 : i32
      %dma_start3A_99 = arith.constant 0 : i32
      %dma_start3A_100 = tpu.memref_slice %arg9[%dma_start3A, %dma_start3A_98, %dma_start3A_99] : memref<4x16x100000xf32, #tpu.memory_space<vmem>> -> memref<1x16x100000xf32, #tpu.memory_space<vmem>>
      %dma_start3A_101 = tpu.memref_squeeze %dma_start3A_100 : memref<1x16x100000xf32, #tpu.memory_space<vmem>> -> memref<16x100000xf32, #tpu.memory_space<vmem>>
      %dma_start3A_102 = arith.constant 160 : i32
      %dma_start3A_103 = arith.constant 0 : i32
      %dma_start3A_104 = tpu.memref_slice %arg4[%dma_start3A_102, %dma_start3A_103] : memref<200x100000xf32, #tpu.memory_space<hbm>> -> memref<16x100000xf32, #tpu.memory_space<hbm>>
      tpu.enqueue_dma source(%dma_start3A_104 : memref<16x100000xf32, #tpu.memory_space<hbm>>) target(%dma_start3A_101 : memref<16x100000xf32, #tpu.memory_space<vmem>>) target_semaphore(%dma_start3A_97 : memref<!tpu.dma_semaphore, #tpu.memory_space<semaphore_mem>>)
    } else {
    }
    %eq3A_37 = arith.constant 8 : i32
    %eq3A_38 = arith.cmpi eq, %arg0, %eq3A_37 : i32
    %convert_element_type3A_39 = arith.extui %eq3A_38 : i1 to i32
    %cond3A_40 = arith.constant 0 : i32
    %cond3A_41 = arith.cmpi ne, %convert_element_type3A_39, %cond3A_40 : i32
    scf.if %cond3A_41 {
      %dma_wait3A = arith.constant 3 : i32
      %dma_wait3A_72 = arith.constant 3 : i32
      %dma_wait3A_73 = tpu.memref_slice %arg10[%dma_wait3A_72] : memref<4x!tpu.dma_semaphore, #tpu.memory_space<semaphore_mem>> -> memref<1x!tpu.dma_semaphore, #tpu.memory_space<semaphore_mem>>
      %dma_wait3A_74 = tpu.memref_squeeze %dma_wait3A_73 : memref<1x!tpu.dma_semaphore, #tpu.memory_space<semaphore_mem>> -> memref<!tpu.dma_semaphore, #tpu.memory_space<semaphore_mem>>
      %dma_wait3A_75 = arith.constant 0 : i32
      %dma_wait3A_76 = arith.constant 0 : i32
      %dma_wait3A_77 = tpu.memref_slice %arg9[%dma_wait3A, %dma_wait3A_75, %dma_wait3A_76] : memref<4x16x100000xf32, #tpu.memory_space<vmem>> -> memref<1x16x100000xf32, #tpu.memory_space<vmem>>
      %dma_wait3A_78 = tpu.memref_squeeze %dma_wait3A_77 : memref<1x16x100000xf32, #tpu.memory_space<vmem>> -> memref<16x100000xf32, #tpu.memory_space<vmem>>
      %dma_wait3A_79 = arith.constant 112 : i32
      %dma_wait3A_80 = arith.constant 0 : i32
      %dma_wait3A_81 = tpu.memref_slice %arg4[%dma_wait3A_79, %dma_wait3A_80] : memref<200x100000xf32, #tpu.memory_space<hbm>> -> memref<16x100000xf32, #tpu.memory_space<hbm>>
      tpu.wait_dma2 semaphore(%dma_wait3A_74 : memref<!tpu.dma_semaphore, #tpu.memory_space<semaphore_mem>>) src(%dma_wait3A_81 : memref<16x100000xf32, #tpu.memory_space<hbm>>) dst(%dma_wait3A_78 : memref<16x100000xf32, #tpu.memory_space<vmem>>)
      %get3A = arith.constant 0 : index
      %get3A_82 = arith.constant 112 : index
      %get3A_83 = vector.load %arg8[%get3A, %get3A_82] : memref<1x200xf32, #tpu.memory_space<vmem>>, vector<1x16xf32>
      %get3A_84 = arith.constant 3 : index
      %get3A_85 = arith.constant 0 : index
      %get3A_86 = arith.constant 0 : index
      %get3A_87 = vector.load %arg9[%get3A_84, %get3A_85, %get3A_86] : memref<4x16x100000xf32, #tpu.memory_space<vmem>>, vector<1x16x100000xf32>
      %get3A_88 = vector.shape_cast %get3A_87 : vector<1x16x100000xf32> to vector<16x100000xf32>
      %dot_general3A = arith.constant dense<0.000000e+00> : vector<1x100000xf32>
      %dot_general3A_89 = tpu.matmul %get3A_83, %get3A_88, %dot_general3A {dimension_numbers = #tpu.dot_dimension_numbers<[1], [0], [0], [1], [0, 0, 1, 1], [], []>, transpose_lhs_hint = false} : vector<1x16xf32>, vector<16x100000xf32>, vector<1x100000xf32> -> vector<1x100000xf32>
      %get3A_90 = arith.constant 0 : index
      %get3A_91 = arith.constant 0 : index
      %get3A_92 = vector.load %arg7[%get3A_90, %get3A_91] : memref<1x100000xf32, #tpu.memory_space<vmem>>, vector<1x100000xf32>
      %add3A = arith.addf %get3A_92, %dot_general3A_89 : vector<1x100000xf32>
      %swap3A = arith.constant 0 : index
      %swap3A_93 = arith.constant 0 : index
      %swap3A_94 = vector.load %arg7[%swap3A, %swap3A_93] : memref<1x100000xf32, #tpu.memory_space<vmem>>, vector<1x100000xf32>
      tpu.vector_store %arg7[%swap3A, %swap3A_93], %add3A {strides = array<i32>} : memref<1x100000xf32, #tpu.memory_space<vmem>>, vector<1x100000xf32>,
      %dma_start3A = arith.constant 3 : i32
      %dma_start3A_95 = arith.constant 3 : i32
      %dma_start3A_96 = tpu.memref_slice %arg10[%dma_start3A_95] : memref<4x!tpu.dma_semaphore, #tpu.memory_space<semaphore_mem>> -> memref<1x!tpu.dma_semaphore, #tpu.memory_space<semaphore_mem>>
      %dma_start3A_97 = tpu.memref_squeeze %dma_start3A_96 : memref<1x!tpu.dma_semaphore, #tpu.memory_space<semaphore_mem>> -> memref<!tpu.dma_semaphore, #tpu.memory_space<semaphore_mem>>
      %dma_start3A_98 = arith.constant 0 : i32
      %dma_start3A_99 = arith.constant 0 : i32
      %dma_start3A_100 = tpu.memref_slice %arg9[%dma_start3A, %dma_start3A_98, %dma_start3A_99] : memref<4x16x100000xf32, #tpu.memory_space<vmem>> -> memref<1x16x100000xf32, #tpu.memory_space<vmem>>
      %dma_start3A_101 = tpu.memref_squeeze %dma_start3A_100 : memref<1x16x100000xf32, #tpu.memory_space<vmem>> -> memref<16x100000xf32, #tpu.memory_space<vmem>>
      %dma_start3A_102 = arith.constant 176 : i32
      %dma_start3A_103 = arith.constant 0 : i32
      %dma_start3A_104 = tpu.memref_slice %arg4[%dma_start3A_102, %dma_start3A_103] : memref<200x100000xf32, #tpu.memory_space<hbm>> -> memref<16x100000xf32, #tpu.memory_space<hbm>>
      tpu.enqueue_dma source(%dma_start3A_104 : memref<16x100000xf32, #tpu.memory_space<hbm>>) target(%dma_start3A_101 : memref<16x100000xf32, #tpu.memory_space<vmem>>) target_semaphore(%dma_start3A_97 : memref<!tpu.dma_semaphore, #tpu.memory_space<semaphore_mem>>)
    } else {
    }
    %eq3A_42 = arith.constant 9 : i32
    %eq3A_43 = arith.cmpi eq, %arg0, %eq3A_42 : i32
    %convert_element_type3A_44 = arith.extui %eq3A_43 : i1 to i32
    %cond3A_45 = arith.constant 0 : i32
    %cond3A_46 = arith.cmpi ne, %convert_element_type3A_44, %cond3A_45 : i32
    scf.if %cond3A_46 {
      %dma_wait3A = arith.constant 0 : i32
      %dma_wait3A_72 = arith.constant 0 : i32
      %dma_wait3A_73 = tpu.memref_slice %arg10[%dma_wait3A_72] : memref<4x!tpu.dma_semaphore, #tpu.memory_space<semaphore_mem>> -> memref<1x!tpu.dma_semaphore, #tpu.memory_space<semaphore_mem>>
      %dma_wait3A_74 = tpu.memref_squeeze %dma_wait3A_73 : memref<1x!tpu.dma_semaphore, #tpu.memory_space<semaphore_mem>> -> memref<!tpu.dma_semaphore, #tpu.memory_space<semaphore_mem>>
      %dma_wait3A_75 = arith.constant 0 : i32
      %dma_wait3A_76 = arith.constant 0 : i32
      %dma_wait3A_77 = tpu.memref_slice %arg9[%dma_wait3A, %dma_wait3A_75, %dma_wait3A_76] : memref<4x16x100000xf32, #tpu.memory_space<vmem>> -> memref<1x16x100000xf32, #tpu.memory_space<vmem>>
      %dma_wait3A_78 = tpu.memref_squeeze %dma_wait3A_77 : memref<1x16x100000xf32, #tpu.memory_space<vmem>> -> memref<16x100000xf32, #tpu.memory_space<vmem>>
      %dma_wait3A_79 = arith.constant 128 : i32
      %dma_wait3A_80 = arith.constant 0 : i32
      %dma_wait3A_81 = tpu.memref_slice %arg4[%dma_wait3A_79, %dma_wait3A_80] : memref<200x100000xf32, #tpu.memory_space<hbm>> -> memref<16x100000xf32, #tpu.memory_space<hbm>>
      tpu.wait_dma2 semaphore(%dma_wait3A_74 : memref<!tpu.dma_semaphore, #tpu.memory_space<semaphore_mem>>) src(%dma_wait3A_81 : memref<16x100000xf32, #tpu.memory_space<hbm>>) dst(%dma_wait3A_78 : memref<16x100000xf32, #tpu.memory_space<vmem>>)
      %get3A = arith.constant 0 : index
      %get3A_82 = arith.constant 128 : index
      %get3A_83 = vector.load %arg8[%get3A, %get3A_82] : memref<1x200xf32, #tpu.memory_space<vmem>>, vector<1x16xf32>
      %get3A_84 = arith.constant 0 : index
      %get3A_85 = arith.constant 0 : index
      %get3A_86 = arith.constant 0 : index
      %get3A_87 = vector.load %arg9[%get3A_84, %get3A_85, %get3A_86] : memref<4x16x100000xf32, #tpu.memory_space<vmem>>, vector<1x16x100000xf32>
      %get3A_88 = vector.shape_cast %get3A_87 : vector<1x16x100000xf32> to vector<16x100000xf32>
      %dot_general3A = arith.constant dense<0.000000e+00> : vector<1x100000xf32>
      %dot_general3A_89 = tpu.matmul %get3A_83, %get3A_88, %dot_general3A {dimension_numbers = #tpu.dot_dimension_numbers<[1], [0], [0], [1], [0, 0, 1, 1], [], []>, transpose_lhs_hint = false} : vector<1x16xf32>, vector<16x100000xf32>, vector<1x100000xf32> -> vector<1x100000xf32>
      %get3A_90 = arith.constant 0 : index
      %get3A_91 = arith.constant 0 : index
      %get3A_92 = vector.load %arg7[%get3A_90, %get3A_91] : memref<1x100000xf32, #tpu.memory_space<vmem>>, vector<1x100000xf32>
      %add3A = arith.addf %get3A_92, %dot_general3A_89 : vector<1x100000xf32>
      %swap3A = arith.constant 0 : index
      %swap3A_93 = arith.constant 0 : index
      %swap3A_94 = vector.load %arg7[%swap3A, %swap3A_93] : memref<1x100000xf32, #tpu.memory_space<vmem>>, vector<1x100000xf32>
      tpu.vector_store %arg7[%swap3A, %swap3A_93], %add3A {strides = array<i32>} : memref<1x100000xf32, #tpu.memory_space<vmem>>, vector<1x100000xf32>,
      %dma_start3A = arith.constant 0 : i32
      %dma_start3A_95 = arith.constant 0 : i32
      %dma_start3A_96 = tpu.memref_slice %arg10[%dma_start3A_95] : memref<4x!tpu.dma_semaphore, #tpu.memory_space<semaphore_mem>> -> memref<1x!tpu.dma_semaphore, #tpu.memory_space<semaphore_mem>>
      %dma_start3A_97 = tpu.memref_squeeze %dma_start3A_96 : memref<1x!tpu.dma_semaphore, #tpu.memory_space<semaphore_mem>> -> memref<!tpu.dma_semaphore, #tpu.memory_space<semaphore_mem>>
      %dma_start3A_98 = arith.constant 0 : i32
      %dma_start3A_99 = arith.constant 0 : i32
      %dma_start3A_100 = tpu.memref_slice %arg9[%dma_start3A, %dma_start3A_98, %dma_start3A_99] : memref<4x16x100000xf32, #tpu.memory_space<vmem>> -> memref<1x8x100000xf32, #tpu.memory_space<vmem>>
      %dma_start3A_101 = tpu.memref_squeeze %dma_start3A_100 : memref<1x8x100000xf32, #tpu.memory_space<vmem>> -> memref<8x100000xf32, #tpu.memory_space<vmem>>
      %dma_start3A_102 = arith.constant 192 : i32
      %dma_start3A_103 = arith.constant 0 : i32
      %dma_start3A_104 = tpu.memref_slice %arg4[%dma_start3A_102, %dma_start3A_103] : memref<200x100000xf32, #tpu.memory_space<hbm>> -> memref<8x100000xf32, #tpu.memory_space<hbm>>
      tpu.enqueue_dma source(%dma_start3A_104 : memref<8x100000xf32, #tpu.memory_space<hbm>>) target(%dma_start3A_101 : memref<8x100000xf32, #tpu.memory_space<vmem>>) target_semaphore(%dma_start3A_97 : memref<!tpu.dma_semaphore, #tpu.memory_space<semaphore_mem>>)
    } else {
    }
    %eq3A_47 = arith.constant 10 : i32
    %eq3A_48 = arith.cmpi eq, %arg0, %eq3A_47 : i32
    %convert_element_type3A_49 = arith.extui %eq3A_48 : i1 to i32
    %cond3A_50 = arith.constant 0 : i32
    %cond3A_51 = arith.cmpi ne, %convert_element_type3A_49, %cond3A_50 : i32
    scf.if %cond3A_51 {
      %dma_wait3A = arith.constant 1 : i32
      %dma_wait3A_72 = arith.constant 1 : i32
      %dma_wait3A_73 = tpu.memref_slice %arg10[%dma_wait3A_72] : memref<4x!tpu.dma_semaphore, #tpu.memory_space<semaphore_mem>> -> memref<1x!tpu.dma_semaphore, #tpu.memory_space<semaphore_mem>>
      %dma_wait3A_74 = tpu.memref_squeeze %dma_wait3A_73 : memref<1x!tpu.dma_semaphore, #tpu.memory_space<semaphore_mem>> -> memref<!tpu.dma_semaphore, #tpu.memory_space<semaphore_mem>>
      %dma_wait3A_75 = arith.constant 0 : i32
      %dma_wait3A_76 = arith.constant 0 : i32
      %dma_wait3A_77 = tpu.memref_slice %arg9[%dma_wait3A, %dma_wait3A_75, %dma_wait3A_76] : memref<4x16x100000xf32, #tpu.memory_space<vmem>> -> memref<1x16x100000xf32, #tpu.memory_space<vmem>>
      %dma_wait3A_78 = tpu.memref_squeeze %dma_wait3A_77 : memref<1x16x100000xf32, #tpu.memory_space<vmem>> -> memref<16x100000xf32, #tpu.memory_space<vmem>>
      %dma_wait3A_79 = arith.constant 144 : i32
      %dma_wait3A_80 = arith.constant 0 : i32
      %dma_wait3A_81 = tpu.memref_slice %arg4[%dma_wait3A_79, %dma_wait3A_80] : memref<200x100000xf32, #tpu.memory_space<hbm>> -> memref<16x100000xf32, #tpu.memory_space<hbm>>
      tpu.wait_dma2 semaphore(%dma_wait3A_74 : memref<!tpu.dma_semaphore, #tpu.memory_space<semaphore_mem>>) src(%dma_wait3A_81 : memref<16x100000xf32, #tpu.memory_space<hbm>>) dst(%dma_wait3A_78 : memref<16x100000xf32, #tpu.memory_space<vmem>>)
      %get3A = arith.constant 0 : index
      %get3A_82 = arith.constant 144 : index
      %get3A_83 = vector.load %arg8[%get3A, %get3A_82] : memref<1x200xf32, #tpu.memory_space<vmem>>, vector<1x16xf32>
      %get3A_84 = arith.constant 1 : index
      %get3A_85 = arith.constant 0 : index
      %get3A_86 = arith.constant 0 : index
      %get3A_87 = vector.load %arg9[%get3A_84, %get3A_85, %get3A_86] : memref<4x16x100000xf32, #tpu.memory_space<vmem>>, vector<1x16x100000xf32>
      %get3A_88 = vector.shape_cast %get3A_87 : vector<1x16x100000xf32> to vector<16x100000xf32>
      %dot_general3A = arith.constant dense<0.000000e+00> : vector<1x100000xf32>
      %dot_general3A_89 = tpu.matmul %get3A_83, %get3A_88, %dot_general3A {dimension_numbers = #tpu.dot_dimension_numbers<[1], [0], [0], [1], [0, 0, 1, 1], [], []>, transpose_lhs_hint = false} : vector<1x16xf32>, vector<16x100000xf32>, vector<1x100000xf32> -> vector<1x100000xf32>
      %get3A_90 = arith.constant 0 : index
      %get3A_91 = arith.constant 0 : index
      %get3A_92 = vector.load %arg7[%get3A_90, %get3A_91] : memref<1x100000xf32, #tpu.memory_space<vmem>>, vector<1x100000xf32>
      %add3A = arith.addf %get3A_92, %dot_general3A_89 : vector<1x100000xf32>
      %swap3A = arith.constant 0 : index
      %swap3A_93 = arith.constant 0 : index
      %swap3A_94 = vector.load %arg7[%swap3A, %swap3A_93] : memref<1x100000xf32, #tpu.memory_space<vmem>>, vector<1x100000xf32>
      tpu.vector_store %arg7[%swap3A, %swap3A_93], %add3A {strides = array<i32>} : memref<1x100000xf32, #tpu.memory_space<vmem>>, vector<1x100000xf32>,
    } else {
    }
    %eq3A_52 = arith.constant 11 : i32
    %eq3A_53 = arith.cmpi eq, %arg0, %eq3A_52 : i32
    %convert_element_type3A_54 = arith.extui %eq3A_53 : i1 to i32
    %cond3A_55 = arith.constant 0 : i32
    %cond3A_56 = arith.cmpi ne, %convert_element_type3A_54, %cond3A_55 : i32
    scf.if %cond3A_56 {
      %dma_wait3A = arith.constant 2 : i32
      %dma_wait3A_72 = arith.constant 2 : i32
      %dma_wait3A_73 = tpu.memref_slice %arg10[%dma_wait3A_72] : memref<4x!tpu.dma_semaphore, #tpu.memory_space<semaphore_mem>> -> memref<1x!tpu.dma_semaphore, #tpu.memory_space<semaphore_mem>>
      %dma_wait3A_74 = tpu.memref_squeeze %dma_wait3A_73 : memref<1x!tpu.dma_semaphore, #tpu.memory_space<semaphore_mem>> -> memref<!tpu.dma_semaphore, #tpu.memory_space<semaphore_mem>>
      %dma_wait3A_75 = arith.constant 0 : i32
      %dma_wait3A_76 = arith.constant 0 : i32
      %dma_wait3A_77 = tpu.memref_slice %arg9[%dma_wait3A, %dma_wait3A_75, %dma_wait3A_76] : memref<4x16x100000xf32, #tpu.memory_space<vmem>> -> memref<1x16x100000xf32, #tpu.memory_space<vmem>>
      %dma_wait3A_78 = tpu.memref_squeeze %dma_wait3A_77 : memref<1x16x100000xf32, #tpu.memory_space<vmem>> -> memref<16x100000xf32, #tpu.memory_space<vmem>>
      %dma_wait3A_79 = arith.constant 160 : i32
      %dma_wait3A_80 = arith.constant 0 : i32
      %dma_wait3A_81 = tpu.memref_slice %arg4[%dma_wait3A_79, %dma_wait3A_80] : memref<200x100000xf32, #tpu.memory_space<hbm>> -> memref<16x100000xf32, #tpu.memory_space<hbm>>
      tpu.wait_dma2 semaphore(%dma_wait3A_74 : memref<!tpu.dma_semaphore, #tpu.memory_space<semaphore_mem>>) src(%dma_wait3A_81 : memref<16x100000xf32, #tpu.memory_space<hbm>>) dst(%dma_wait3A_78 : memref<16x100000xf32, #tpu.memory_space<vmem>>)
      %get3A = arith.constant 0 : index
      %get3A_82 = arith.constant 160 : index
      %get3A_83 = vector.load %arg8[%get3A, %get3A_82] : memref<1x200xf32, #tpu.memory_space<vmem>>, vector<1x16xf32>
      %get3A_84 = arith.constant 2 : index
      %get3A_85 = arith.constant 0 : index
      %get3A_86 = arith.constant 0 : index
      %get3A_87 = vector.load %arg9[%get3A_84, %get3A_85, %get3A_86] : memref<4x16x100000xf32, #tpu.memory_space<vmem>>, vector<1x16x100000xf32>
      %get3A_88 = vector.shape_cast %get3A_87 : vector<1x16x100000xf32> to vector<16x100000xf32>
      %dot_general3A = arith.constant dense<0.000000e+00> : vector<1x100000xf32>
      %dot_general3A_89 = tpu.matmul %get3A_83, %get3A_88, %dot_general3A {dimension_numbers = #tpu.dot_dimension_numbers<[1], [0], [0], [1], [0, 0, 1, 1], [], []>, transpose_lhs_hint = false} : vector<1x16xf32>, vector<16x100000xf32>, vector<1x100000xf32> -> vector<1x100000xf32>
      %get3A_90 = arith.constant 0 : index
      %get3A_91 = arith.constant 0 : index
      %get3A_92 = vector.load %arg7[%get3A_90, %get3A_91] : memref<1x100000xf32, #tpu.memory_space<vmem>>, vector<1x100000xf32>
      %add3A = arith.addf %get3A_92, %dot_general3A_89 : vector<1x100000xf32>
      %swap3A = arith.constant 0 : index
      %swap3A_93 = arith.constant 0 : index
      %swap3A_94 = vector.load %arg7[%swap3A, %swap3A_93] : memref<1x100000xf32, #tpu.memory_space<vmem>>, vector<1x100000xf32>
      tpu.vector_store %arg7[%swap3A, %swap3A_93], %add3A {strides = array<i32>} : memref<1x100000xf32, #tpu.memory_space<vmem>>, vector<1x100000xf32>,
    } else {
    }
    %eq3A_57 = arith.constant 12 : i32
    %eq3A_58 = arith.cmpi eq, %arg0, %eq3A_57 : i32
    %convert_element_type3A_59 = arith.extui %eq3A_58 : i1 to i32
    %cond3A_60 = arith.constant 0 : i32
    %cond3A_61 = arith.cmpi ne, %convert_element_type3A_59, %cond3A_60 : i32
    scf.if %cond3A_61 {
      %dma_wait3A = arith.constant 3 : i32
      %dma_wait3A_72 = arith.constant 3 : i32
      %dma_wait3A_73 = tpu.memref_slice %arg10[%dma_wait3A_72] : memref<4x!tpu.dma_semaphore, #tpu.memory_space<semaphore_mem>> -> memref<1x!tpu.dma_semaphore, #tpu.memory_space<semaphore_mem>>
      %dma_wait3A_74 = tpu.memref_squeeze %dma_wait3A_73 : memref<1x!tpu.dma_semaphore, #tpu.memory_space<semaphore_mem>> -> memref<!tpu.dma_semaphore, #tpu.memory_space<semaphore_mem>>
      %dma_wait3A_75 = arith.constant 0 : i32
      %dma_wait3A_76 = arith.constant 0 : i32
      %dma_wait3A_77 = tpu.memref_slice %arg9[%dma_wait3A, %dma_wait3A_75, %dma_wait3A_76] : memref<4x16x100000xf32, #tpu.memory_space<vmem>> -> memref<1x16x100000xf32, #tpu.memory_space<vmem>>
      %dma_wait3A_78 = tpu.memref_squeeze %dma_wait3A_77 : memref<1x16x100000xf32, #tpu.memory_space<vmem>> -> memref<16x100000xf32, #tpu.memory_space<vmem>>
      %dma_wait3A_79 = arith.constant 176 : i32
      %dma_wait3A_80 = arith.constant 0 : i32
      %dma_wait3A_81 = tpu.memref_slice %arg4[%dma_wait3A_79, %dma_wait3A_80] : memref<200x100000xf32, #tpu.memory_space<hbm>> -> memref<16x100000xf32, #tpu.memory_space<hbm>>
      tpu.wait_dma2 semaphore(%dma_wait3A_74 : memref<!tpu.dma_semaphore, #tpu.memory_space<semaphore_mem>>) src(%dma_wait3A_81 : memref<16x100000xf32, #tpu.memory_space<hbm>>) dst(%dma_wait3A_78 : memref<16x100000xf32, #tpu.memory_space<vmem>>)
      %get3A = arith.constant 0 : index
      %get3A_82 = arith.constant 176 : index
      %get3A_83 = vector.load %arg8[%get3A, %get3A_82] : memref<1x200xf32, #tpu.memory_space<vmem>>, vector<1x16xf32>
      %get3A_84 = arith.constant 3 : index
      %get3A_85 = arith.constant 0 : index
      %get3A_86 = arith.constant 0 : index
      %get3A_87 = vector.load %arg9[%get3A_84, %get3A_85, %get3A_86] : memref<4x16x100000xf32, #tpu.memory_space<vmem>>, vector<1x16x100000xf32>
      %get3A_88 = vector.shape_cast %get3A_87 : vector<1x16x100000xf32> to vector<16x100000xf32>
      %dot_general3A = arith.constant dense<0.000000e+00> : vector<1x100000xf32>
      %dot_general3A_89 = tpu.matmul %get3A_83, %get3A_88, %dot_general3A {dimension_numbers = #tpu.dot_dimension_numbers<[1], [0], [0], [1], [0, 0, 1, 1], [], []>, transpose_lhs_hint = false} : vector<1x16xf32>, vector<16x100000xf32>, vector<1x100000xf32> -> vector<1x100000xf32>
      %get3A_90 = arith.constant 0 : index
      %get3A_91 = arith.constant 0 : index
      %get3A_92 = vector.load %arg7[%get3A_90, %get3A_91] : memref<1x100000xf32, #tpu.memory_space<vmem>>, vector<1x100000xf32>
      %add3A = arith.addf %get3A_92, %dot_general3A_89 : vector<1x100000xf32>
      %swap3A = arith.constant 0 : index
      %swap3A_93 = arith.constant 0 : index
      %swap3A_94 = vector.load %arg7[%swap3A, %swap3A_93] : memref<1x100000xf32, #tpu.memory_space<vmem>>, vector<1x100000xf32>
      tpu.vector_store %arg7[%swap3A, %swap3A_93], %add3A {strides = array<i32>} : memref<1x100000xf32, #tpu.memory_space<vmem>>, vector<1x100000xf32>,
    } else {
    }
    %eq3A_62 = arith.constant 13 : i32
    %eq3A_63 = arith.cmpi eq, %arg0, %eq3A_62 : i32
    %convert_element_type3A_64 = arith.extui %eq3A_63 : i1 to i32
    %cond3A_65 = arith.constant 0 : i32
    %cond3A_66 = arith.cmpi ne, %convert_element_type3A_64, %cond3A_65 : i32
    scf.if %cond3A_66 {
      %dma_wait3A = arith.constant 0 : i32
      %dma_wait3A_72 = arith.constant 0 : i32
      %dma_wait3A_73 = tpu.memref_slice %arg10[%dma_wait3A_72] : memref<4x!tpu.dma_semaphore, #tpu.memory_space<semaphore_mem>> -> memref<1x!tpu.dma_semaphore, #tpu.memory_space<semaphore_mem>>
      %dma_wait3A_74 = tpu.memref_squeeze %dma_wait3A_73 : memref<1x!tpu.dma_semaphore, #tpu.memory_space<semaphore_mem>> -> memref<!tpu.dma_semaphore, #tpu.memory_space<semaphore_mem>>
      %dma_wait3A_75 = arith.constant 0 : i32
      %dma_wait3A_76 = arith.constant 0 : i32
      %dma_wait3A_77 = tpu.memref_slice %arg9[%dma_wait3A, %dma_wait3A_75, %dma_wait3A_76] : memref<4x16x100000xf32, #tpu.memory_space<vmem>> -> memref<1x8x100000xf32, #tpu.memory_space<vmem>>
      %dma_wait3A_78 = tpu.memref_squeeze %dma_wait3A_77 : memref<1x8x100000xf32, #tpu.memory_space<vmem>> -> memref<8x100000xf32, #tpu.memory_space<vmem>>
      %dma_wait3A_79 = arith.constant 192 : i32
      %dma_wait3A_80 = arith.constant 0 : i32
      %dma_wait3A_81 = tpu.memref_slice %arg4[%dma_wait3A_79, %dma_wait3A_80] : memref<200x100000xf32, #tpu.memory_space<hbm>> -> memref<8x100000xf32, #tpu.memory_space<hbm>>
      tpu.wait_dma2 semaphore(%dma_wait3A_74 : memref<!tpu.dma_semaphore, #tpu.memory_space<semaphore_mem>>) src(%dma_wait3A_81 : memref<8x100000xf32, #tpu.memory_space<hbm>>) dst(%dma_wait3A_78 : memref<8x100000xf32, #tpu.memory_space<vmem>>)
      %get3A = arith.constant 0 : index
      %get3A_82 = arith.constant 192 : index
      %get3A_83 = vector.load %arg8[%get3A, %get3A_82] : memref<1x200xf32, #tpu.memory_space<vmem>>, vector<1x8xf32>
      %get3A_84 = arith.constant 0 : index
      %get3A_85 = arith.constant 0 : index
      %get3A_86 = arith.constant 0 : index
      %get3A_87 = vector.load %arg9[%get3A_84, %get3A_85, %get3A_86] : memref<4x16x100000xf32, #tpu.memory_space<vmem>>, vector<1x8x100000xf32>
      %get3A_88 = vector.shape_cast %get3A_87 : vector<1x8x100000xf32> to vector<8x100000xf32>
      %dot_general3A = arith.constant dense<0.000000e+00> : vector<1x100000xf32>
      %dot_general3A_89 = tpu.matmul %get3A_83, %get3A_88, %dot_general3A {dimension_numbers = #tpu.dot_dimension_numbers<[1], [0], [0], [1], [0, 0, 1, 1], [], []>, transpose_lhs_hint = false} : vector<1x8xf32>, vector<8x100000xf32>, vector<1x100000xf32> -> vector<1x100000xf32>
      %get3A_90 = arith.constant 0 : index
      %get3A_91 = arith.constant 0 : index
      %get3A_92 = vector.load %arg7[%get3A_90, %get3A_91] : memref<1x100000xf32, #tpu.memory_space<vmem>>, vector<1x100000xf32>
      %add3A = arith.addf %get3A_92, %dot_general3A_89 : vector<1x100000xf32>
      %swap3A = arith.constant 0 : index
      %swap3A_93 = arith.constant 0 : index
      %swap3A_94 = vector.load %arg7[%swap3A, %swap3A_93] : memref<1x100000xf32, #tpu.memory_space<vmem>>, vector<1x100000xf32>
      tpu.vector_store %arg7[%swap3A, %swap3A_93], %add3A {strides = array<i32>} : memref<1x100000xf32, #tpu.memory_space<vmem>>, vector<1x100000xf32>,
    } else {
    }
    %eq3A_67 = arith.constant 14 : i32
    %eq3A_68 = arith.cmpi eq, %arg0, %eq3A_67 : i32
    %convert_element_type3A_69 = arith.extui %eq3A_68 : i1 to i32
    %cond3A_70 = arith.constant 0 : i32
    %cond3A_71 = arith.cmpi ne, %convert_element_type3A_69, %cond3A_70 : i32
    scf.if %cond3A_71 {
      %get3A = arith.constant 0 : index
      %get3A_72 = arith.constant 0 : index
      %get3A_73 = vector.load %arg7[%get3A, %get3A_72] : memref<1x100000xf32, #tpu.memory_space<vmem>>, vector<1x100000xf32>
      %reduce_max3A = vector.shape_cast %get3A_73 : vector<1x100000xf32> to vector<1x1x100000xf32>
      %reduce_max3A_74 = arith.constant dense<0xFF800000> : vector<1xf32>
      %reduce_max3A_75 = vector.multi_reduction <maximumf>, %reduce_max3A, %reduce_max3A_74 [1, 2] : vector<1x1x100000xf32> to vector<1xf32>
      %reduce_max3A_76 = vector.shape_cast %reduce_max3A_75 : vector<1xf32> to vector<1x1x1xf32>
      %reduce_max3A_77 = vector.extract %reduce_max3A_76[0, 0, 0] : f32 from vector<1x1x1xf32>
      %sub3A = vector.broadcast %reduce_max3A_77 : f32 to vector<1x100000xf32>
      %sub3A_78 = arith.subf %get3A_73, %sub3A : vector<1x100000xf32>
      %exp3A = math.exp %sub3A_78 : vector<1x100000xf32>
      %reduce_sum3A = vector.shape_cast %exp3A : vector<1x100000xf32> to vector<1x1x100000xf32>
      %reduce_sum3A_79 = arith.constant dense<0.000000e+00> : vector<1xf32>
      %reduce_sum3A_80 = vector.multi_reduction <add>, %reduce_sum3A, %reduce_sum3A_79 [1, 2] : vector<1x1x100000xf32> to vector<1xf32>
      %reduce_sum3A_81 = vector.shape_cast %reduce_sum3A_80 : vector<1xf32> to vector<1x1x1xf32>
      %reduce_sum3A_82 = vector.extract %reduce_sum3A_81[0, 0, 0] : f32 from vector<1x1x1xf32>
      %log3A = math.log %reduce_sum3A_82 : f32
      %add3A = arith.addf %reduce_max3A_77, %log3A : f32
      %sub3A_83 = vector.broadcast %add3A : f32 to vector<1x100000xf32>
      %sub3A_84 = arith.subf %get3A_73, %sub3A_83 : vector<1x100000xf32>
      %swap3A = arith.constant 0 : index
      %swap3A_85 = arith.constant 0 : index
      %swap3A_86 = vector.load %arg6[%swap3A, %swap3A_85] : memref<1x100000xf32, #tpu.memory_space<vmem>>, vector<1x100000xf32>
      tpu.vector_store %arg6[%swap3A, %swap3A_85], %sub3A_84 {strides = array<i32>} : memref<1x100000xf32, #tpu.memory_space<vmem>>, vector<1x100000xf32>,
    } else {
    }
    return
  }
  func.func @transform_0(%arg0: i32) -> (i32, i32) {
    %c0_i32 = arith.constant 0 : i32
    %c0_i32_0 = arith.constant 0 : i32
    %c0_i32_1 = arith.constant 0 : i32
    return %c0_i32, %c0_i32_0 : i32, i32
  }
  func.func @transform_1(%arg0: i32) -> (i32, i32) {
    %c0_i32 = arith.constant 0 : i32
    %c0_i32_0 = arith.constant 0 : i32
    %c0_i32_1 = arith.constant 0 : i32
    return %c0_i32, %c0_i32_0 : i32, i32
  }
  func.func @transform_2(%arg0: i32) -> (i32, i32) {
    %c0_i32 = arith.constant 0 : i32
    %c0_i32_0 = arith.constant 0 : i32
    %c0_i32_1 = arith.constant 0 : i32
    return %c0_i32, %c0_i32_0 : i32, i32
  }
  func.func @transform_4(%arg0: i32) -> i32 {
    %c0_i32 = arith.constant 0 : i32
    %c0_i32_0 = arith.constant 0 : i32
    return %c0_i32 : i32
  }
  func.func @transform_5(%arg0: i32) -> (i32, i32) {
    %c0_i32 = arith.constant 0 : i32
    %c0_i32_0 = arith.constant 0 : i32
    %c0_i32_1 = arith.constant 0 : i32
    return %c0_i32, %c0_i32_0 : i32, i32
  }
}

</mosaic_0001>

<sc_bundles>
// kernel: kernel.4.cloned.1.call-start
scs
__scs_entry_jumppad:
0x0: {  	(pc) =	sbr.rel $0x88, $3  }
0x1: {  	(tag) =	ssettag $0x0;
	lr =	simm.s32 $0x1  }
0x2: {  	[smem:$0x3F9B] =	sst lr;
	_ =	strace $0xD0000000  }
0x3: {  	_ = 	snop  }
0x4: {  	_ = 	snop  }
0x5: {  	_ = 	snop  }
0x6: {  	_ = 	snop  }
0x7: {  	_ = 	snop  }
__scs_overlays_trampoline_lowered:
0x8: {  	[smem:$0x3FAA] =	sst s0  }
0x9: {  	[smem:$0x3FAB] =	sst s1  }
0xa: {  	[smem:$0x3FAC] =	sst s2  }
0xb: {  	[smem:$0x3FAD] =	sst s3  }
0xc: {  	[smem:$0x3FAE] =	sst s4  }
0xd: {  	[smem:$0x3FAF] =	sst s5  }
0xe: {  	[smem:$0x3FB0] =	sst s6  }
0xf: {  	[smem:$0x3FB1] =	sst s7  }
0x10: {  	[smem:$0x3FB2] =	sst s8  }
0x11: {  	[smem:$0x3FB3] =	sst s9;
	s0 =	simm.s32 @!p0 $0x0  }
0x12: {  	s1 =	sld [smem:$0x3F99];
	s0 =	simm.s32 @p0 $0x1  }
0x13: {  	[smem:$0x3FB4] =	sst s0;
	s0 =	simm.s32 @!p1 $0x0  }
0x14: {  	s2 =	sld [smem:$0x3F98];
	s0 =	simm.s32 @p1 $0x1  }
0x15: {  	[smem:$0x3FB5] =	sst s0;
	s0 =	simm.s32 @!p2 $0x0  }
0x16: {  	s3 =	sld [smem:$0x3FDB];
	s0 =	simm.s32 @p2 $0x1  }
0x17: {  	s4 =	simm.s32 $0x1BF5;
	[smem:$0x3FB7] =	sst s0  }
0x18: {  	s0 =	sld [smem:$0x3F9A];
	_ =	swait.ge [sflag:s4], $0x0  }
0x19: {  	s7 =	sld [smem:$0x3F9B]  }
0x1a: {  	s8 =	sadd.s32 $0xFFFFE003, lr  }
0x1b: {  	s9 =	sadd.s32 $0xFFFFFEF7, lr;
	s5 =	simm.s32 $0xFFFFFFFF;
	p2 =	slt.u32 s8, $0xFFFFF086  }
0x1c: {  	p1 =	slt.u32 s9, $0xF7A;
	s5 =	simm.s32 @!p2 $0x0  }
0x1d: {  	s5 =	simm.s32 @p1 $0x1;
	p0 =	seq.s32 s7, s2  }
0x1e: {  	s7 =	smul.u32 @!p0 $0xF7A, s2;
	p2 =	seq.s32 @!p0 s5, $0x0  }
0x1f: {  	s9 =	smul.u32 $0xF7A, s1;
	s8 =	simm.s32 @!p0 $0x1BF5;
	p2 =	por !p2, p0  }
0x20: {  	[sflag:s8] =	ssyncset.s32 @!p0 $0xFFFFF086;
	s6 =	sadd.s32 @!p0 s3, s7;
	s7 =	simm.s32 @!p0 $0x108  }
0x21: {  	s3 =	sadd.s32 s3, s9;
	s6 =	sadd.s32 @!p0 $0x88, s6;
	s7 =	simm.s32 @p2 $0x1082  }
0x22: {  	[simem:s7], [sflag:s8] =	dma.local @!p0 [hbm:s6], $0xF7A  }
0x23: {  	s9 =	sor.u32 $0xD0000000, s2;
	s6 =	simm.s32 $0x108;
	_ =	swait.ge @!p0 [sflag:s8], $0x0  }
0x24: {  	s3 =	sadd.s32 $0x88, s3;
	s6 =	simm.s32 @!p1 $0x1082;
	[sflag:s4] =	ssyncset.s32 $0xFFFFF086  }
0x25: {  	[simem:s6], [sflag:s4] =	dma.local [hbm:s3], $0xF7A  }
0x26: {  	[smem:$0x3F9B] =	sst s1;
	(tag) =	ssettag s2;
	_ =	strace s9  }
0x27: {  	s1 =	sld [smem:$0x3FAB]  }
0x28: {  	s2 =	sld [smem:$0x3FAC]  }
0x29: {  	s4 =	sld [smem:$0x3FAE]  }
0x2a: {  	p0 =	seq.s32 s5, $0x0;
	s5 =	sld [smem:$0x3FAF]  }
0x2b: {  	s6 =	sld [smem:$0x3FB0]  }
0x2c: {  	s7 =	sld [smem:$0x3FB1]  }
0x2d: {  	s3 =	simm.s32 $0x108;
	s8 =	sld [smem:$0x3FB2]  }
0x2e: {  	s3 =	simm.s32 @!p0 $0x1082;
	s9 =	sld [smem:$0x3FB3]  }
0x2f: {  	lr =	sadd.s32 s0, s3;
	s0 =	sld [smem:$0x3FAA]  }
0x30: {  	s3 =	sld [smem:$0x3FAD]  }
0x31: {  	[smem:$0x3FB6] =	sst s10  }
0x32: {  	s10 =	sld [smem:$0x3FB4];
	_ =	sdelay $0x3  }
0x33: {  	p0 =	seq.s32 s10, $0x1;
	s10 =	sld [smem:$0x3FB6];
	_ =	sdelay $0x3  }
0x34: {  	[smem:$0x3FB6] =	sst s10  }
0x35: {  	s10 =	sld [smem:$0x3FB5];
	_ =	sdelay $0x3  }
0x36: {  	p1 =	seq.s32 s10, $0x1;
	s10 =	sld [smem:$0x3FB6];
	_ =	sdelay $0x3  }
0x37: {  	[smem:$0x3FB6] =	sst s10  }
0x38: {  	s10 =	sld [smem:$0x3FB7]  }
0x39: {  	_ = 	snop;
	(pc) =	sbr.ind lr, $3  }
0x3a: {  	_ = 	snop  }
0x3b: {  	_ = 	snop  }
0x3c: {  	p2 =	seq.s32 s10, $0x1;
	s10 =	sld [smem:$0x3FB6]  }
0x3d: {  	_ =	shalt  }
0x3e: {  	_ =	shalt  }
0x3f: {  	_ =	shalt  }
0x40: {  	_ =	shalt  }
0x41: {  	_ =	shalt  }
0x42: {  	_ =	shalt  }
0x43: {  	_ =	shalt  }
0x44: {  	_ =	shalt  }
0x45: {  	_ =	shalt  }
0x46: {  	_ =	shalt  }
0x47: {  	_ =	shalt  }
0x48: {  	_ =	shalt  }
0x49: {  	_ =	shalt  }
0x4a: {  	_ =	shalt  }
0x4b: {  	_ =	shalt  }
0x4c: {  	_ =	shalt  }
0x4d: {  	_ =	shalt  }
0x4e: {  	_ =	shalt  }
0x4f: {  	_ =	shalt  }
0x50: {  	_ =	shalt  }
0x51: {  	_ =	shalt  }
0x52: {  	_ =	shalt  }
0x53: {  	_ =	shalt  }
0x54: {  	_ =	shalt  }
0x55: {  	_ =	shalt  }
0x56: {  	_ =	shalt  }
0x57: {  	_ =	shalt  }
0x58: {  	_ =	shalt  }
0x59: {  	_ =	shalt  }
0x5a: {  	_ =	shalt  }
0x5b: {  	_ =	shalt  }
0x5c: {  	_ =	shalt  }
0x5d: {  	_ =	shalt  }
0x5e: {  	_ =	shalt  }
0x5f: {  	_ =	shalt  }
0x60: {  	_ =	shalt  }
0x61: {  	_ =	shalt  }
0x62: {  	_ =	shalt  }
0x63: {  	_ =	shalt  }
0x64: {  	_ =	shalt  }
0x65: {  	_ =	shalt  }
0x66: {  	_ =	shalt  }
0x67: {  	_ =	shalt  }
0x68: {  	_ =	shalt  }
0x69: {  	_ =	shalt  }
0x6a: {  	_ =	shalt  }
0x6b: {  	_ =	shalt  }
0x6c: {  	_ =	shalt  }
0x6d: {  	_ =	shalt  }
0x6e: {  	_ =	shalt  }
0x6f: {  	_ =	shalt  }
0x70: {  	_ =	shalt  }
0x71: {  	_ =	shalt  }
0x72: {  	_ =	shalt  }
0x73: {  	_ =	shalt  }
0x74: {  	_ =	shalt  }
0x75: {  	_ =	shalt  }
0x76: {  	_ =	shalt  }
0x77: {  	_ =	shalt  }
0x78: {  	_ =	shalt  }
0x79: {  	_ =	shalt  }
0x7a: {  	_ =	shalt  }
0x7b: {  	_ =	shalt  }
0x7c: {  	_ =	shalt  }
0x7d: {  	_ =	shalt  }
0x7e: {  	_ =	shalt  }
0x7f: {  	_ =	shalt  }
0x80: {  	_ =	shalt  }
0x81: {  	_ =	shalt  }
0x82: {  	_ =	shalt  }
0x83: {  	_ =	shalt  }
0x84: {  	_ =	shalt  }
0x85: {  	_ =	shalt  }
0x86: {  	_ =	shalt  }
0x87: {  	_ =	shalt  }
.Lfunc_end0:
.L_simem_size_0:
called_computation_lowered:
.L_overlay_start_0:
0x88: {  	s2 =	sld [smem:$0x3FD9]  }
0x89: {  	s3 =	sld [smem:$0x3FFE];
	_ =	sdelay $0x1  }
0x8a: {  	s1 =	srdreg.scid  }
0x8b: {  	s0 =	sand.u32 $0x1, s1  }
0x8c: {  	s18 =	sshll.u32 s0, $0xA;
	s2 =	sadd.s32 s3, s2  }
0x8d: {  	s2 =	sadd.s32 s2, s18  }
0x8e: {  	[smem:$0x3FC2] =	sst s2  }
0x8f: {  	_ = 	snop  }
0x90: {  	s2 =	sld [smem:$0x3FC9]  }
0x91: {  	s19 =	sld [smem:$0x3FC8]  }
0x92: {  	s4 =	sld [smem:$0x3FD0];
	(tm) =	ssettm $0x1  }
0x93: {  	s5 =	sld [smem:$0x3FFB];
	_ =	sdelay $0x3  }
0x94: {  	_ =	strace s5  }
0x95: {  	s5 =	sld [smem:$0x3FFC];
	_ =	sdelay $0x3  }
0x96: {  	_ =	strace s5  }
0x97: {  	s5 =	sld [smem:$0x3FFD];
	_ =	sdelay $0x3  }
0x98: {  	_ =	strace s5  }
0x99: {  	_ =	strace $0x8FFFFFFF  }
0x9a: {  	s20 =	sld [smem:$0x3FDB];
	_ =	sdelay $0x1  }
0x9b: {  	s6 =	simm.s32 $_scs_section_size  }
0x9c: {  	s7 =	simm.s32 $_size__tile_overlayer_lowered;
	s8 =	simm.s32 $_tile_overlayer_lowered  }
0x9d: {  	s23 =	simm.s32 $0x1BFF;
	s22 =	sshll.u32 s8, $0x1;
	s5 =	sadd.s32 s6, s20  }
0x9e: {  	s9 =	simm.s32 $0x0;
	s21 =	sshll.u32 s7, $0x1;
	s7 =	sadd.s32 s22, s5  }
0x9f: {  	[timem:s9], [sflag:s23] =	dma.local [hbm:s7], s21  }
0xa0: {  	_ =	swait.ge [sflag:s23], s21  }
0xa1: {  	s6 =	ssub.s32 $0x0, s21;
	[sflag:s23] =	ssyncset.done $0x0  }
0xa2: {  	[sflag:s23] =	ssyncadd.s32 s6;
	_ =	sdelay $0x1  }
0xa3: {  	s24 =	simm.s32 $0x1B8B  }
0xa4: {  	_ =	swait.ge [sflag:s24], $0x1  }
0xa5: {  	[sflag:s24] =	ssyncset.done $0x0  }
0xa6: {  	s25 =	simm.s32 $0x1B8E;
	[sflag:s24] =	ssyncadd.s32 $0xFFFFFFFF  }
0xa7: {  	s26 =	simm.s32 $execute0_lowered;
	[smem:$0x3FD2] =	sst s25  }
0xa8: {  	s6 =	sshll.u32 s26, $0x1;
	_ =	strace $0x80000046;
	[dreg:$0x1] =	wrdreg $0xFFFFFFFF  }
0xa9: {  	s28 =	simm.s32 $_size_execute0_lowered;
	s5 =	sadd.s32 s5, s6;
	[dreg:$0x0] =	wrdreg $0x0  }
0xaa: {  	s6 =	sshll.u32 s28, $0x1;
	[dreg:$0x2] =	wrdreg s5  }
0xab: {  	[dreg:$0x3] =	wrdreg s6  }
0xac: {  	[dreg:$0x4] =	wrdreg $0xC0  }
0xad: {  	_ =	task [dreg:s9], $0x5FFFF  }
0xae: {  	[dreg:$0x1] =	wrdreg $0xFFFFFFFF  }
0xaf: {  	[dreg:$0x0] =	wrdreg $0x60  }
0xb0: {  	[dreg:$0x2] =	wrdreg s19  }
0xb1: {  	[dreg:$0x3] =	wrdreg s2  }
0xb2: {  	[dreg:$0x4] =	wrdreg s4  }
0xb3: {  	[dreg:$0x5] =	wrdreg $0x9  }
0xb4: {  	_ =	task.clear_ibuf [dreg:s9], $0x6FFFF;
	_ =	strace $0x90000046  }
0xb5: {  	s29 =	simm.s32 $0x9;
	_ =	strace $0x80000048  }
0xb6: {  	_ =	swait.ge [sflag:s29], $0x1  }
0xb7: {  	[sflag:s29] =	ssyncadd.s32 $0xFFFFFFFF  }
0xb8: {  	_ =	strace $0x90000048  }
0xb9: {  	_ =	sfence  }
0xba: {  	s30 =	sld [smem:$0x0];
	_ =	sdelay $0x2  }
0xbb: {  	s31 =	sshll.u32 s1, $0xD;
	s1 =	sshrl.u32 s1, $0x2  }
0xbc: {  	s3 =	sand.u32 $0x4000, s31;
	s1 =	sadd.s32 s1, s30  }
0xbd: {  	s0 =	sor.u32 s3, s0;
	s1 =	sshll.u32 s1, $0x11  }
0xbe: {  	s0 =	sor.u32 s1, s0  }
0xbf: {  	s0 =	sadd.s32 $0x8F2B, s0  }
0xc0: {  	[sflag:s0] =	ssyncadd.remote.s32 $0x1  }
0xc1: {  	_ =	sfence.sel $0xFFFF  }
0xc2: {  	[dreg:$0x0] =	wrdreg $0xFFFFFFFF;
	(pc) =	sbr.abs _section_cstart, $3  }
0xc3: {  	[dreg:$0x1] =	wrdreg $0xFFFFFFFF  }
0xc4: {  	_ =	task.clear_ibuf [dreg:s9], $0x2FFFF;
	_ =	strace $0x9FFFFFFF  }
0xc5: {  	(tm) =	ssettm $0x7FFFFFFF  }
tec
execute0_lowered:
.L_overlay_start_1:
0x0: {  	(tag) =	ssettag $0x1  }
0x1: {  	s1 =	srdreg.scid;
	s0 =	stileid.u32  }
0x2: {  	s6 =	sand.u32 $0x1, s1;
	s5 =	sshll.u32 s0, $0x1  }
0x3: {  	s10 =	sor.u32 s6, s5  }
0x4: {  	p0 =	sgt.u32 s10, $0x18  }
.Ltmp0:
0x5: {  	s2 =	rddreg [dreg:$0x0];
	(pc) =	sbr.rel @p0 .LBB2_4-.Ltmp0, $4  }
0x6: {  	s4 =	rddreg [dreg:$0x1]  }
0x7: {  	s9 =	rddreg [dreg:$0x2];
	s3 =	simm.s32 $0x0  }
0x8: {  	[smem:$0x7FF] =	sst s3  }
0x9: {  	s1 =	rddreg [dreg:$0x3];
	_ =	strace $0x80000047  }
0xa: {  	s5 =	sadd.s32 s4, s10;
	s4 =	simm.s32 $0x2;
	s11 =	ssub.s32 $0x2, s6  }
0xb: {  	[tilespmem:s3], [sflag:$0x2] =	stream.linear.gather [hbm4b:s5+s3], $0x8, $0x38;
	[tilespmem:$0x480] =	vst v63  }
0xc: {  	s6 =	simm.s32 $0x8;
	s12 =	sshrl.u32 s11, $0x1;
	_ =	swait.ge [sflag:s4], $0x8  }
0xd: {  	s7 =	simm.s32 $0x80;
	s11 =	ssub.s32 s11, s12;
	[sflag:s4] =	ssyncset.done $0x0  }
0xe: {  	s8 =	simm.s32 $0x1;
	s31 =	smax.u32 s11, $0x1;
	[sflag:s4] =	ssyncadd.s32 $0xFFFFFFF8  }
0xf: {  	[tilespmem:s7], [sflag:$0x1] =	stream.indirect.gather [hbm4b:s2+s6], $0x80, s3, s6, $0xb8;
	[tilespmem:$0x480] =	vst v63  }
0x10: {  	p0 =	sne.s32 s31, $0x1;
	_ =	swait.ge [sflag:s8], $0x400  }
.Ltmp1:
0x11: {  	s30 =	sshll.u32 s10, $0x7;
	[sflag:s8] =	ssyncset.done $0x0;
	(pc) =	sbr.rel @!p0 .LBB2_3-.Ltmp1, $4  }
0x12: {  	s9 =	sadd.s32 s9, s30;
	[sflag:s8] =	ssyncadd.s32 $0xFFFFFC00  }
0x13: {  	[hbm4b:s9+s3] =	stream.linear.scatter [tilespmem:s7], [sflag:$0x2], $0x400, $0x38;
	[tilespmem:$0x480] =	vst v63  }
0x14: {  	_ =	swait.ge [sflag:s4], $0x400  }
0x15: {  	s10 =	sadd.s32 $0xFFFFFFFF, s31;
	[sflag:s4] =	ssyncset.done $0x0  }
.LBB2_2:
0x16: {  	p0 =	sne.s32 s10, $0x1;
	s10 =	sadd.s32 $0xFFFFFFFF, s10;
	[sflag:s4] =	ssyncadd.s32 $0xFFFFFC00  }
0x17: {  	[tilespmem:s3], [sflag:$0x2] =	stream.linear.gather [hbm4b:s5+s3], $0x8, $0x38;
	[tilespmem:$0x480] =	vst v63  }
0x18: {  	_ =	swait.ge [sflag:s4], $0x8  }
0x19: {  	[sflag:s4] =	ssyncset.done $0x0  }
0x1a: {  	[sflag:s4] =	ssyncadd.s32 $0xFFFFFFF8  }
0x1b: {  	[tilespmem:s7], [sflag:$0x1] =	stream.indirect.gather [hbm4b:s2+s6], $0x80, s3, s6, $0xb8;
	[tilespmem:$0x480] =	vst v63  }
0x1c: {  	_ =	swait.ge [sflag:s8], $0x400  }
.Ltmp2:
0x1d: {  	[sflag:s8] =	ssyncset.done $0x0;
	(pc) =	sbr.rel @p0 .LBB2_2-.Ltmp2, $4  }
0x1e: {  	[sflag:s8] =	ssyncadd.s32 $0xFFFFFC00  }
0x1f: {  	[hbm4b:s9+s3] =	stream.linear.scatter [tilespmem:s7], [sflag:$0x2], $0x400, $0x38;
	[tilespmem:$0x480] =	vst v63  }
0x20: {  	_ =	swait.ge [sflag:s4], $0x400  }
0x21: {  	[sflag:s4] =	ssyncset.done $0x0  }
.LBB2_3:
0x22: {  	[sflag:s4] =	ssyncadd.s32 $0xFFFFFC00  }
.LBB2_4:
0x23: {  	_ =	sfence.sel $0x180000  }
0x24: {  	[bflag:$0x0] =	sbarrier.arrive $0xFFFF  }
0x25: {  	p0 =	sne.s32 s0, $0x0;
	_ =	strace $0x90000047  }
0x26: {  	s0 =	sadd.s32 @!p0 $0x100000, s1;
	[bflag:$0x2] =	sbarrier.arrive $0xFFFF  }
0x27: {  	[sflag:s0] =	ssyncadd.tile.s32 @!p0 $0x1;
	_ =	shalt  }
.Lfunc_end2:
_tile_overlayer_lowered:
.L_overlay_start_2:
0x28: {  	(tag) =	ssettag $0x2  }
0x29: {  	s0 =	rddreg [dreg:$0x0];
	s2 =	stileid.u32  }
0x2a: {  	s1 =	rddreg [dreg:$0x1];
	p0 =	sne.s32 s2, $0x0  }
0x2b: {  	s3 =	rddreg [dreg:$0x2];
	[bflag:$0x3] =	sbarrier.arrive $0xFFFF;
	s2 =	simm.s32 @!p0 $0x1C02  }
0x2c: {  	[timem:s3], [sflag:s2] =	dma.local @!p0 [hbm:s0], s1  }
0x2d: {  	s0 =	simm.s32 @!p0 $0x2  }
0x2e: {  	_ =	swait.ge @!p0 [sflag:s0], s1  }
0x2f: {  	s1 =	ssub.s32 @!p0 $0x0, s1;
	[sflag:s0] =	ssyncset.done @!p0 $0x0  }
0x30: {  	[sflag:s0] =	ssyncadd.s32 @!p0 s1  }
0x31: {  	[bflag:$0x3] =	sbarrier.arrive $0xFFFF  }
0x32: {  	_ =	shalt  }

</sc_bundles>
